<compile_context>
chip_gen: v7x
topology: tpu7x:2x2x1
jax: 0.10.2.dev20260603
libtpu: 0.0.44.dev20260713+nightly
codegen_flags: <defaults>
</compile_context>

<pallas_src>
import functools

import jax
import jax.numpy as jnp
from jax import lax
from jax.experimental import pallas as pl
from jax.experimental.pallas import tpu as pltpu
from jax.experimental.pallas import tpu_sc as plsc

N_NODES = 10000
N_PAD = 10240
N_EDGES = 320000
CW = 80
CHUNKS_PER_TILE = 128
REAL_CPT = N_EDGES // CW // 32
PAD_CPT = CHUNKS_PER_TILE - REAL_CPT
ROWS_PER_TILE = N_PAD // 16
D_HID = 128
BLK = 1024
SENTINEL = N_NODES

_MESH = dict(core_axis_name="c", subcore_axis_name="s", num_cores=2,
             num_subcores=16)


def _deg_body(ei_hbm, pad_hbm, out_hbm, idx_v, ones_v, zero_v, sem_s,
              deg_sh):
    c = lax.axis_index("c")
    s = lax.axis_index("s")
    tid = c * 16 + s
    for i in range(CW // 16):
        ones_v[pl.ds(i * 16, 16)] = jnp.ones((16,), jnp.float32)

    def _zb(i, carry):
        zero_v[pl.ds(i * 16, 16)] = jnp.zeros((16,), jnp.float32)
        return carry

    lax.fori_loop(0, ROWS_PER_TILE // 16, _zb, 0)
    pltpu.sync_copy(zero_v, deg_sh.at[pl.ds(s * ROWS_PER_TILE, ROWS_PER_TILE)])
    pltpu.sync_copy(ei_hbm.at[1, pl.ds(tid * REAL_CPT, REAL_CPT)],
                    idx_v.at[pl.ds(0, REAL_CPT)])
    pltpu.sync_copy(pad_hbm.at[pl.ds(tid * PAD_CPT, PAD_CPT)],
                    idx_v.at[pl.ds(REAL_CPT, PAD_CPT)])
    plsc.subcore_barrier()

    def _body(t, carry):
        pltpu.async_copy(ones_v, deg_sh.at[idx_v.at[t]], sem_s, add=True)

        @pl.when(t >= 8)
        def _drain_one():
            pltpu.make_async_copy(out_hbm.at[0, pl.ds(0, CW)], ones_v,
                                  sem_s).wait()

        return carry

    lax.fori_loop(0, CHUNKS_PER_TILE, _body, 0)
    for _ in range(8):
        pltpu.make_async_copy(out_hbm.at[0, pl.ds(0, CW)], ones_v,
                              sem_s).wait()
    plsc.subcore_barrier()
    sl = pl.ds(s * ROWS_PER_TILE, ROWS_PER_TILE)
    pltpu.sync_copy(deg_sh.at[sl], out_hbm.at[c, sl])


@functools.cache
def _deg_call():
    return pl.kernel(
        _deg_body,
        out_type=jax.ShapeDtypeStruct((2, N_PAD), jnp.float32),
        mesh=plsc.VectorSubcoreMesh(**_MESH),
        compiler_params=pltpu.CompilerParams(use_tc_tiling_on_sc=False),
        scratch_types=[
            pltpu.VMEM((CHUNKS_PER_TILE, CW), jnp.int32),
            pltpu.VMEM((CW,), jnp.float32),
            pltpu.VMEM((ROWS_PER_TILE,), jnp.float32),
            pltpu.SemaphoreType.DMA,
            pltpu.VMEM_SHARED((N_PAD,), jnp.float32),
        ],
    )


NB = 8
PD = 4


def _agg_body(y_hbm, ei_hbm, pad_hbm, zeros_hbm, out_hbm,
              sidx_v, didx_v, rows_v, *scr):
    gsems, sem_s, acc_sh = scr[:NB], scr[NB], scr[NB + 1]
    c = lax.axis_index("c")
    s = lax.axis_index("s")
    tid = c * 16 + s
    sl = pl.ds(s * ROWS_PER_TILE, ROWS_PER_TILE)
    pltpu.sync_copy(zeros_hbm.at[sl], acc_sh.at[sl])
    esl = pl.ds(tid * REAL_CPT, REAL_CPT)
    psl = pl.ds(tid * PAD_CPT, PAD_CPT)
    pltpu.sync_copy(ei_hbm.at[0, esl], sidx_v.at[pl.ds(0, REAL_CPT)])
    pltpu.sync_copy(pad_hbm.at[psl], sidx_v.at[pl.ds(REAL_CPT, PAD_CPT)])
    pltpu.sync_copy(ei_hbm.at[1, esl], didx_v.at[pl.ds(0, REAL_CPT)])
    pltpu.sync_copy(pad_hbm.at[psl], didx_v.at[pl.ds(REAL_CPT, PAD_CPT)])
    plsc.subcore_barrier()

    for k in range(PD):
        pltpu.async_copy(y_hbm.at[sidx_v.at[k]], rows_v.at[k], gsems[k])

    def _outer(o, carry):
        for j in range(NB):
            t = NB * o + j
            pltpu.make_async_copy(y_hbm.at[sidx_v.at[t]], rows_v.at[j],
                                  gsems[j]).wait()

            @pl.when(t >= PD)
            def _drain_scatter():
                pltpu.make_async_copy(zeros_hbm.at[pl.ds(0, CW)],
                                      rows_v.at[0], sem_s).wait()

            pltpu.async_copy(rows_v.at[j], acc_sh.at[didx_v.at[t]], sem_s,
                             add=True)
            tn = lax.rem(t + PD, CHUNKS_PER_TILE)
            jn = (j + PD) % NB
            pltpu.async_copy(y_hbm.at[sidx_v.at[tn]], rows_v.at[jn],
                             gsems[jn])
        return carry

    lax.fori_loop(0, CHUNKS_PER_TILE // NB, _outer, 0)
    for _ in range(PD):
        pltpu.make_async_copy(zeros_hbm.at[pl.ds(0, CW)], rows_v.at[0],
                              sem_s).wait()
    for k in range(PD):
        pltpu.make_async_copy(y_hbm.at[sidx_v.at[k]], rows_v.at[k],
                              gsems[k]).wait()
    plsc.subcore_barrier()
    pltpu.sync_copy(acc_sh.at[sl], out_hbm.at[c, sl])


@functools.cache
def _agg_call():
    return pl.kernel(
        _agg_body,
        out_type=jax.ShapeDtypeStruct((2, N_PAD, D_HID), jnp.bfloat16),
        mesh=plsc.VectorSubcoreMesh(**_MESH),
        compiler_params=pltpu.CompilerParams(use_tc_tiling_on_sc=False),
        scratch_types=[
            pltpu.VMEM((CHUNKS_PER_TILE, CW), jnp.int32),
            pltpu.VMEM((CHUNKS_PER_TILE, CW), jnp.int32),
            pltpu.VMEM((NB, CW, D_HID), jnp.bfloat16),
        ] + [pltpu.SemaphoreType.DMA] * (NB + 1) + [
            pltpu.VMEM_SHARED((N_PAD, D_HID), jnp.bfloat16),
        ],
    )


def _mm_body(span_ref, types_ref, emb_ref, wts_ref, wte_ref, x_ref):
    types = types_ref[0, 0, :]
    onehot = (types[:, None]
              == lax.broadcasted_iota(jnp.int32, (1, 16), 1)).astype(jnp.float32)
    m = jnp.dot(emb_ref[...], wte_ref[...], preferred_element_type=jnp.float32)
    x_ref[...] = (jnp.dot(span_ref[...], wts_ref[...],
                          preferred_element_type=jnp.float32)
                  + jnp.dot(onehot, m, preferred_element_type=jnp.float32))


def _matmul_tc(span_p, types3, emb_table, wt_span, wt_emb):
    return pl.pallas_call(
        _mm_body,
        grid=(N_PAD // BLK,),
        in_specs=[
            pl.BlockSpec((BLK, 96), lambda i: (i, 0)),
            pl.BlockSpec((1, 1, BLK), lambda i: (i, 0, 0)),
            pl.BlockSpec((16, 32), lambda i: (0, 0)),
            pl.BlockSpec((96, D_HID), lambda i: (0, 0)),
            pl.BlockSpec((32, D_HID), lambda i: (0, 0)),
        ],
        out_specs=pl.BlockSpec((BLK, D_HID), lambda i: (i, 0)),
        out_shape=jax.ShapeDtypeStruct((N_PAD, D_HID), jnp.float32),
    )(span_p, types3, emb_table, wt_span, wt_emb)


def _scale_body(x_ref, dis_ref, y_ref):
    i = pl.program_id(0)
    rowid = i * BLK + lax.broadcasted_iota(jnp.int32, (BLK, 1), 0)
    y = jnp.where(rowid < N_NODES, dis_ref[...] * x_ref[...], 0.0)
    y_ref[...] = y.astype(jnp.bfloat16)


def _scale_tc(x, dis):
    return pl.pallas_call(
        _scale_body,
        grid=(N_PAD // BLK,),
        in_specs=[
            pl.BlockSpec((BLK, D_HID), lambda i: (i, 0)),
            pl.BlockSpec((BLK, 1), lambda i: (i, 0)),
        ],
        out_specs=pl.BlockSpec((BLK, D_HID), lambda i: (i, 0)),
        out_shape=jax.ShapeDtypeStruct((N_PAD, D_HID), jnp.bfloat16),
    )(x, dis)


def _epi_body(s_ref, y_ref, dis_ref, b_ref, pw_ref, out_ref):
    ssum = (s_ref[0].astype(jnp.float32) + s_ref[1].astype(jnp.float32))
    o = dis_ref[...] * (ssum + y_ref[...].astype(jnp.float32)) + b_ref[...]
    out_ref[...] = jnp.where(o >= 0.0, o, pw_ref[...] * o)


BLK_E = 1000


def _epilogue_tc(s_parts, y, dis, b2, pw2):
    return pl.pallas_call(
        _epi_body,
        grid=(N_NODES // BLK_E,),
        in_specs=[
            pl.BlockSpec((2, BLK_E, D_HID), lambda i: (0, i, 0)),
            pl.BlockSpec((BLK_E, D_HID), lambda i: (i, 0)),
            pl.BlockSpec((BLK_E, 1), lambda i: (i, 0)),
            pl.BlockSpec((1, D_HID), lambda i: (0, 0)),
            pl.BlockSpec((1, D_HID), lambda i: (0, 0)),
        ],
        out_specs=pl.BlockSpec((BLK_E, D_HID), lambda i: (i, 0)),
        out_shape=jax.ShapeDtypeStruct((N_NODES, D_HID), jnp.float32),
    )(s_parts, y, dis, b2, pw2)


def kernel(span_reps, type_features, edge_index, edge_attr, emb_table, W, b,
           prelu_w):
    del edge_attr
    f32 = jnp.float32
    ei3 = edge_index.astype(jnp.int32).reshape(2, N_EDGES // CW, CW)
    npadrows = N_PAD - N_NODES
    pad3 = (SENTINEL + (jnp.arange(PAD_CPT * 32 * CW, dtype=jnp.int32)
                        % npadrows)).reshape(PAD_CPT * 32, CW)

    span_p = jnp.pad(span_reps, ((0, N_PAD - N_NODES), (0, 0)))
    types3 = jnp.pad(type_features.astype(jnp.int32),
                     (0, N_PAD - N_NODES)).reshape(N_PAD // BLK, 1, BLK)
    wt = W.astype(f32).T
    deg_parts = _deg_call()(ei3, pad3)
    x = _matmul_tc(span_p.astype(f32), types3, emb_table.astype(f32),
                   wt[:96], wt[96:])
    dis = lax.rsqrt(deg_parts[0] + deg_parts[1] + 1.0).reshape(N_PAD, 1)
    y = _scale_tc(x, dis)

    zeros_rows = jnp.zeros((N_PAD, D_HID), jnp.bfloat16)
    s_parts = _agg_call()(y, ei3, pad3, zeros_rows)

    return _epilogue_tc(s_parts, y, dis,
                        b.astype(f32).reshape(1, D_HID),
                        prelu_w.astype(f32).reshape(1, D_HID))

# --- scband reference (transcript-rebuilt; emitter-appended) ---
"""Pipeline reference for scband-encoder-15522011808370 (READ-ONLY COPY).

The authoritative reference and input builder live on the scoring server;
editing this copy changes nothing except your own understanding.
"""

import jax, jax.numpy as jnp
import numpy as np

N_NODES = 10000
N_EDGES = 320000
D_SPAN = 96
D_EMB = 32
D_IN = D_SPAN + D_EMB
D_HID = 128
N_TYPES = 16

def setup_inputs(seed: int = 0) -> dict:
    key = jax.random.key(seed)
    k1, k2, k3, k4, k5, k6, k7, k8 = jax.random.split(key, 8)
    span_reps = jax.random.normal(k1, (N_NODES, D_SPAN), dtype=jnp.float32)
    type_features = jax.random.randint(k2, (N_NODES,), 0, N_TYPES, dtype=jnp.int64) if jax.config.jax_enable_x64 else jax.random.randint(k2, (N_NODES,), 0, N_TYPES, dtype=jnp.int32)
    edge_index = jax.random.randint(k3, (2, N_EDGES), 0, N_NODES, dtype=jnp.int32)
    edge_attr = jax.random.randint(k4, (N_EDGES,), 0, 3, dtype=jnp.int32)
    emb_table = jax.random.normal(k5, (N_TYPES, D_EMB), dtype=jnp.float32)
    W = jax.random.normal(k6, (D_HID, D_IN), dtype=jnp.float32) * (1.0 / np.sqrt(D_IN))
    b = jnp.zeros((D_HID,), dtype=jnp.float32)
    prelu_w = jnp.full((D_HID,), 0.25, dtype=jnp.float32)
    return {"span_reps": span_reps, "type_features": type_features, "edge_index": edge_index, "edge_attr": edge_attr, "emb_table": emb_table, "W": W, "b": b, "prelu_w": prelu_w}

def reference(span_reps, type_features, edge_index, edge_attr, emb_table, W, b, prelu_w):
    # node type embedding lookup (SparseCore gather)
    nt_emb = jnp.take(emb_table, type_features, axis=0)
    xs = jnp.concatenate([span_reps, nt_emb], axis=-1)
    N = xs.shape[0]
    # GCNConv: linear transform first
    x = xs @ W.T
    # add self loops
    loop = jnp.arange(N, dtype=edge_index.dtype)
    src = jnp.concatenate([edge_index[0], loop])
    dst = jnp.concatenate([edge_index[1], loop])
    # symmetric normalization D^-1/2 (A+I) D^-1/2
    ones = jnp.ones(src.shape[0], dtype=jnp.float32)
    deg = jax.ops.segment_sum(ones, dst, num_segments=N)
    deg_inv_sqrt = jnp.where(deg > 0, jax.lax.rsqrt(jnp.maximum(deg, 1e-12)), 0.0)
    norm = deg_inv_sqrt[src] * deg_inv_sqrt[dst]
    # gather messages, scale, scatter-add aggregate
    msgs = x[src] * norm[:, None]
    out = jax.ops.segment_sum(msgs, dst, num_segments=N)
    out = out + b
    # PReLU with per-channel weight
    out = jnp.where(out >= 0, out, prelu_w * out)
    return out

if __name__ == "__main__":
    import jax
    _d = setup_inputs()
    print(jax.jit(kernel)(*tuple(_d.values())))

</pallas_src>

<mosaic_0001>
#map = affine_map<(d0, d1) -> (0, 0)>
#map1 = affine_map<(d0, d1) -> (0, 0, 0)>
module attributes {stable_mosaic.version = 14 : i64} {
  func.func @_agg_body(%arg0: i32, %arg1: i32, %arg2: memref<10240x128xbf16, #tpu.memory_space<hbm>>, %arg3: memref<2x4000x80xi32, #tpu.memory_space<hbm>>, %arg4: memref<96x80xi32, #tpu.memory_space<hbm>>, %arg5: memref<10240x128xbf16, #tpu.memory_space<hbm>>, %arg6: memref<2x10240x128xbf16, #tpu.memory_space<hbm>>, %arg7: memref<128x80xi32, #tpu.memory_space<vmem>>, %arg8: memref<128x80xi32, #tpu.memory_space<vmem>>, %arg9: memref<8x80x128xbf16, #tpu.memory_space<vmem>>, %arg10: memref<!tpu.dma_semaphore, #tpu.memory_space<semaphore_mem>>, %arg11: memref<!tpu.dma_semaphore, #tpu.memory_space<semaphore_mem>>, %arg12: memref<!tpu.dma_semaphore, #tpu.memory_space<semaphore_mem>>, %arg13: memref<!tpu.dma_semaphore, #tpu.memory_space<semaphore_mem>>, %arg14: memref<!tpu.dma_semaphore, #tpu.memory_space<semaphore_mem>>, %arg15: memref<!tpu.dma_semaphore, #tpu.memory_space<semaphore_mem>>, %arg16: memref<!tpu.dma_semaphore, #tpu.memory_space<semaphore_mem>>, %arg17: memref<!tpu.dma_semaphore, #tpu.memory_space<semaphore_mem>>, %arg18: memref<!tpu.dma_semaphore, #tpu.memory_space<semaphore_mem>>, %arg19: memref<10240x128xbf16, #tpu.memory_space<vmem_shared>>) attributes {dimension_semantics = [#tpu.dimension_semantics<core_parallel>, #tpu.dimension_semantics<subcore_parallel>], iteration_bounds = array<i64: 2, 16>, scalar_prefetch = 0 : i64, scratch_operands = 13 : i64, tpu.core_type = #tpu.core_type<sc_vector_subcore>, window_params = [{transform_indices = #map}, {transform_indices = #map1}, {transform_indices = #map}, {transform_indices = #map}, {transform_indices = #map1}]} {
    %mul3A = arith.constant 16 : i32
    %mul3A_0 = arith.muli %arg0, %mul3A : i32
    %add3A = arith.addi %mul3A_0, %arg1 : i32
    %mul3A_1 = arith.constant 640 : i32
    %mul3A_2 = arith.muli %arg1, %mul3A_1 : i32
    "tpu.region"() ({
      %run_scoped3A_168 = tpu.sem_alloc : memref<!tpu.dma_semaphore, #tpu.memory_space<semaphore_mem>>
      %dma_start3A_169 = arith.constant 0 : i32
      %dma_start3A_170 = tpu.memref_slice %arg19[%mul3A_2, %dma_start3A_169] : memref<10240x128xbf16, #tpu.memory_space<vmem_shared>> -> memref<640x128xbf16, #tpu.memory_space<vmem_shared>>
      %dma_start3A_171 = arith.constant 0 : i32
      %dma_start3A_172 = tpu.memref_slice %arg5[%mul3A_2, %dma_start3A_171] : memref<10240x128xbf16, #tpu.memory_space<hbm>> -> memref<640x128xbf16, #tpu.memory_space<hbm>>
      tpu.enqueue_dma source(%dma_start3A_172 : memref<640x128xbf16, #tpu.memory_space<hbm>>) target(%dma_start3A_170 : memref<640x128xbf16, #tpu.memory_space<vmem_shared>>) target_semaphore(%run_scoped3A_168 : memref<!tpu.dma_semaphore, #tpu.memory_space<semaphore_mem>>)
      %dma_wait3A_173 = arith.constant 0 : i32
      %dma_wait3A_174 = tpu.memref_slice %arg19[%mul3A_2, %dma_wait3A_173] : memref<10240x128xbf16, #tpu.memory_space<vmem_shared>> -> memref<640x128xbf16, #tpu.memory_space<vmem_shared>>
      %dma_wait3A_175 = arith.constant 0 : i32
      %dma_wait3A_176 = tpu.memref_slice %arg5[%mul3A_2, %dma_wait3A_175] : memref<10240x128xbf16, #tpu.memory_space<hbm>> -> memref<640x128xbf16, #tpu.memory_space<hbm>>
      tpu.wait_dma2 semaphore(%run_scoped3A_168 : memref<!tpu.dma_semaphore, #tpu.memory_space<semaphore_mem>>) src(%dma_wait3A_176 : memref<640x128xbf16, #tpu.memory_space<hbm>>) dst(%dma_wait3A_174 : memref<640x128xbf16, #tpu.memory_space<vmem_shared>>)
      tpu.yield
    }) : () -> ()
    %mul3A_3 = arith.constant 125 : i32
    %mul3A_4 = arith.muli %add3A, %mul3A_3 : i32
    %mul3A_5 = arith.constant 3 : i32
    %mul3A_6 = arith.muli %add3A, %mul3A_5 : i32
    %run_scoped3A = arith.constant 0 : i32
    "tpu.region"() ({
      %run_scoped3A_168 = tpu.sem_alloc : memref<!tpu.dma_semaphore, #tpu.memory_space<semaphore_mem>>
      %dma_start3A_169 = arith.constant 0 : i32
      %dma_start3A_170 = arith.constant 0 : i32
      %dma_start3A_171 = tpu.memref_slice %arg7[%dma_start3A_169, %dma_start3A_170] : memref<128x80xi32, #tpu.memory_space<vmem>> -> memref<125x80xi32, #tpu.memory_space<vmem>>
      %dma_start3A_172 = arith.constant 0 : i32
      %dma_start3A_173 = tpu.memref_slice %arg3[%run_scoped3A, %mul3A_4, %dma_start3A_172] : memref<2x4000x80xi32, #tpu.memory_space<hbm>> -> memref<1x125x80xi32, #tpu.memory_space<hbm>>
      %dma_start3A_174 = tpu.memref_squeeze %dma_start3A_173 : memref<1x125x80xi32, #tpu.memory_space<hbm>> -> memref<125x80xi32, #tpu.memory_space<hbm>>
      %dma_start3A_175 = arith.constant 0 : i32
      %dma_start3A_176 = arith.constant 0 : i32
      %dma_start3A_177 = tpu.memref_slice %arg7[%dma_start3A_175, %dma_start3A_176] : memref<128x80xi32, #tpu.memory_space<vmem>> -> memref<125x80xi32, #tpu.memory_space<vmem>>
      %dma_start3A_178 = arith.constant 0 : i32
      %dma_start3A_179 = tpu.memref_slice %arg3[%run_scoped3A, %mul3A_4, %dma_start3A_178] : memref<2x4000x80xi32, #tpu.memory_space<hbm>> -> memref<1x125x80xi32, #tpu.memory_space<hbm>>
      %dma_start3A_180 = tpu.memref_squeeze %dma_start3A_179 : memref<1x125x80xi32, #tpu.memory_space<hbm>> -> memref<125x80xi32, #tpu.memory_space<hbm>>
      tpu.enqueue_dma source(%dma_start3A_180 : memref<125x80xi32, #tpu.memory_space<hbm>>) target(%dma_start3A_177 : memref<125x80xi32, #tpu.memory_space<vmem>>) target_semaphore(%run_scoped3A_168 : memref<!tpu.dma_semaphore, #tpu.memory_space<semaphore_mem>>)
      %dma_wait3A_181 = arith.constant 0 : i32
      %dma_wait3A_182 = arith.constant 0 : i32
      %dma_wait3A_183 = tpu.memref_slice %arg7[%dma_wait3A_181, %dma_wait3A_182] : memref<128x80xi32, #tpu.memory_space<vmem>> -> memref<125x80xi32, #tpu.memory_space<vmem>>
      %dma_wait3A_184 = arith.constant 0 : i32
      %dma_wait3A_185 = tpu.memref_slice %arg3[%run_scoped3A, %mul3A_4, %dma_wait3A_184] : memref<2x4000x80xi32, #tpu.memory_space<hbm>> -> memref<1x125x80xi32, #tpu.memory_space<hbm>>
      %dma_wait3A_186 = tpu.memref_squeeze %dma_wait3A_185 : memref<1x125x80xi32, #tpu.memory_space<hbm>> -> memref<125x80xi32, #tpu.memory_space<hbm>>
      %dma_wait3A_187 = arith.constant 0 : i32
      %dma_wait3A_188 = arith.constant 0 : i32
      %dma_wait3A_189 = tpu.memref_slice %arg7[%dma_wait3A_187, %dma_wait3A_188] : memref<128x80xi32, #tpu.memory_space<vmem>> -> memref<125x80xi32, #tpu.memory_space<vmem>>
      %dma_wait3A_190 = arith.constant 0 : i32
      %dma_wait3A_191 = tpu.memref_slice %arg3[%run_scoped3A, %mul3A_4, %dma_wait3A_190] : memref<2x4000x80xi32, #tpu.memory_space<hbm>> -> memref<1x125x80xi32, #tpu.memory_space<hbm>>
      %dma_wait3A_192 = tpu.memref_squeeze %dma_wait3A_191 : memref<1x125x80xi32, #tpu.memory_space<hbm>> -> memref<125x80xi32, #tpu.memory_space<hbm>>
      tpu.wait_dma2 semaphore(%run_scoped3A_168 : memref<!tpu.dma_semaphore, #tpu.memory_space<semaphore_mem>>) src(%dma_wait3A_192 : memref<125x80xi32, #tpu.memory_space<hbm>>) dst(%dma_wait3A_189 : memref<125x80xi32, #tpu.memory_space<vmem>>)
      tpu.yield
    }) : () -> ()
    "tpu.region"() ({
      %run_scoped3A_168 = tpu.sem_alloc : memref<!tpu.dma_semaphore, #tpu.memory_space<semaphore_mem>>
      %dma_start3A_169 = arith.constant 125 : i32
      %dma_start3A_170 = arith.constant 0 : i32
      %dma_start3A_171 = tpu.memref_slice %arg7[%dma_start3A_169, %dma_start3A_170] : memref<128x80xi32, #tpu.memory_space<vmem>> -> memref<3x80xi32, #tpu.memory_space<vmem>>
      %dma_start3A_172 = arith.constant 0 : i32
      %dma_start3A_173 = tpu.memref_slice %arg4[%mul3A_6, %dma_start3A_172] : memref<96x80xi32, #tpu.memory_space<hbm>> -> memref<3x80xi32, #tpu.memory_space<hbm>>
      %dma_start3A_174 = arith.constant 125 : i32
      %dma_start3A_175 = arith.constant 0 : i32
      %dma_start3A_176 = tpu.memref_slice %arg7[%dma_start3A_174, %dma_start3A_175] : memref<128x80xi32, #tpu.memory_space<vmem>> -> memref<3x80xi32, #tpu.memory_space<vmem>>
      %dma_start3A_177 = arith.constant 0 : i32
      %dma_start3A_178 = tpu.memref_slice %arg4[%mul3A_6, %dma_start3A_177] : memref<96x80xi32, #tpu.memory_space<hbm>> -> memref<3x80xi32, #tpu.memory_space<hbm>>
      tpu.enqueue_dma source(%dma_start3A_178 : memref<3x80xi32, #tpu.memory_space<hbm>>) target(%dma_start3A_176 : memref<3x80xi32, #tpu.memory_space<vmem>>) target_semaphore(%run_scoped3A_168 : memref<!tpu.dma_semaphore, #tpu.memory_space<semaphore_mem>>)
      %dma_wait3A_179 = arith.constant 125 : i32
      %dma_wait3A_180 = arith.constant 0 : i32
      %dma_wait3A_181 = tpu.memref_slice %arg7[%dma_wait3A_179, %dma_wait3A_180] : memref<128x80xi32, #tpu.memory_space<vmem>> -> memref<3x80xi32, #tpu.memory_space<vmem>>
      %dma_wait3A_182 = arith.constant 0 : i32
      %dma_wait3A_183 = tpu.memref_slice %arg4[%mul3A_6, %dma_wait3A_182] : memref<96x80xi32, #tpu.memory_space<hbm>> -> memref<3x80xi32, #tpu.memory_space<hbm>>
      %dma_wait3A_184 = arith.constant 125 : i32
      %dma_wait3A_185 = arith.constant 0 : i32
      %dma_wait3A_186 = tpu.memref_slice %arg7[%dma_wait3A_184, %dma_wait3A_185] : memref<128x80xi32, #tpu.memory_space<vmem>> -> memref<3x80xi32, #tpu.memory_space<vmem>>
      %dma_wait3A_187 = arith.constant 0 : i32
      %dma_wait3A_188 = tpu.memref_slice %arg4[%mul3A_6, %dma_wait3A_187] : memref<96x80xi32, #tpu.memory_space<hbm>> -> memref<3x80xi32, #tpu.memory_space<hbm>>
      tpu.wait_dma2 semaphore(%run_scoped3A_168 : memref<!tpu.dma_semaphore, #tpu.memory_space<semaphore_mem>>) src(%dma_wait3A_188 : memref<3x80xi32, #tpu.memory_space<hbm>>) dst(%dma_wait3A_186 : memref<3x80xi32, #tpu.memory_space<vmem>>)
      tpu.yield
    }) : () -> ()
    %run_scoped3A_7 = arith.constant 1 : i32
    "tpu.region"() ({
      %run_scoped3A_168 = tpu.sem_alloc : memref<!tpu.dma_semaphore, #tpu.memory_space<semaphore_mem>>
      %dma_start3A_169 = arith.constant 0 : i32
      %dma_start3A_170 = arith.constant 0 : i32
      %dma_start3A_171 = tpu.memref_slice %arg8[%dma_start3A_169, %dma_start3A_170] : memref<128x80xi32, #tpu.memory_space<vmem>> -> memref<125x80xi32, #tpu.memory_space<vmem>>
      %dma_start3A_172 = arith.constant 0 : i32
      %dma_start3A_173 = tpu.memref_slice %arg3[%run_scoped3A_7, %mul3A_4, %dma_start3A_172] : memref<2x4000x80xi32, #tpu.memory_space<hbm>> -> memref<1x125x80xi32, #tpu.memory_space<hbm>>
      %dma_start3A_174 = tpu.memref_squeeze %dma_start3A_173 : memref<1x125x80xi32, #tpu.memory_space<hbm>> -> memref<125x80xi32, #tpu.memory_space<hbm>>
      %dma_start3A_175 = arith.constant 0 : i32
      %dma_start3A_176 = arith.constant 0 : i32
      %dma_start3A_177 = tpu.memref_slice %arg8[%dma_start3A_175, %dma_start3A_176] : memref<128x80xi32, #tpu.memory_space<vmem>> -> memref<125x80xi32, #tpu.memory_space<vmem>>
      %dma_start3A_178 = arith.constant 0 : i32
      %dma_start3A_179 = tpu.memref_slice %arg3[%run_scoped3A_7, %mul3A_4, %dma_start3A_178] : memref<2x4000x80xi32, #tpu.memory_space<hbm>> -> memref<1x125x80xi32, #tpu.memory_space<hbm>>
      %dma_start3A_180 = tpu.memref_squeeze %dma_start3A_179 : memref<1x125x80xi32, #tpu.memory_space<hbm>> -> memref<125x80xi32, #tpu.memory_space<hbm>>
      tpu.enqueue_dma source(%dma_start3A_180 : memref<125x80xi32, #tpu.memory_space<hbm>>) target(%dma_start3A_177 : memref<125x80xi32, #tpu.memory_space<vmem>>) target_semaphore(%run_scoped3A_168 : memref<!tpu.dma_semaphore, #tpu.memory_space<semaphore_mem>>)
      %dma_wait3A_181 = arith.constant 0 : i32
      %dma_wait3A_182 = arith.constant 0 : i32
      %dma_wait3A_183 = tpu.memref_slice %arg8[%dma_wait3A_181, %dma_wait3A_182] : memref<128x80xi32, #tpu.memory_space<vmem>> -> memref<125x80xi32, #tpu.memory_space<vmem>>
      %dma_wait3A_184 = arith.constant 0 : i32
      %dma_wait3A_185 = tpu.memref_slice %arg3[%run_scoped3A_7, %mul3A_4, %dma_wait3A_184] : memref<2x4000x80xi32, #tpu.memory_space<hbm>> -> memref<1x125x80xi32, #tpu.memory_space<hbm>>
      %dma_wait3A_186 = tpu.memref_squeeze %dma_wait3A_185 : memref<1x125x80xi32, #tpu.memory_space<hbm>> -> memref<125x80xi32, #tpu.memory_space<hbm>>
      %dma_wait3A_187 = arith.constant 0 : i32
      %dma_wait3A_188 = arith.constant 0 : i32
      %dma_wait3A_189 = tpu.memref_slice %arg8[%dma_wait3A_187, %dma_wait3A_188] : memref<128x80xi32, #tpu.memory_space<vmem>> -> memref<125x80xi32, #tpu.memory_space<vmem>>
      %dma_wait3A_190 = arith.constant 0 : i32
      %dma_wait3A_191 = tpu.memref_slice %arg3[%run_scoped3A_7, %mul3A_4, %dma_wait3A_190] : memref<2x4000x80xi32, #tpu.memory_space<hbm>> -> memref<1x125x80xi32, #tpu.memory_space<hbm>>
      %dma_wait3A_192 = tpu.memref_squeeze %dma_wait3A_191 : memref<1x125x80xi32, #tpu.memory_space<hbm>> -> memref<125x80xi32, #tpu.memory_space<hbm>>
      tpu.wait_dma2 semaphore(%run_scoped3A_168 : memref<!tpu.dma_semaphore, #tpu.memory_space<semaphore_mem>>) src(%dma_wait3A_192 : memref<125x80xi32, #tpu.memory_space<hbm>>) dst(%dma_wait3A_189 : memref<125x80xi32, #tpu.memory_space<vmem>>)
      tpu.yield
    }) : () -> ()
    "tpu.region"() ({
      %run_scoped3A_168 = tpu.sem_alloc : memref<!tpu.dma_semaphore, #tpu.memory_space<semaphore_mem>>
      %dma_start3A_169 = arith.constant 125 : i32
      %dma_start3A_170 = arith.constant 0 : i32
      %dma_start3A_171 = tpu.memref_slice %arg8[%dma_start3A_169, %dma_start3A_170] : memref<128x80xi32, #tpu.memory_space<vmem>> -> memref<3x80xi32, #tpu.memory_space<vmem>>
      %dma_start3A_172 = arith.constant 0 : i32
      %dma_start3A_173 = tpu.memref_slice %arg4[%mul3A_6, %dma_start3A_172] : memref<96x80xi32, #tpu.memory_space<hbm>> -> memref<3x80xi32, #tpu.memory_space<hbm>>
      %dma_start3A_174 = arith.constant 125 : i32
      %dma_start3A_175 = arith.constant 0 : i32
      %dma_start3A_176 = tpu.memref_slice %arg8[%dma_start3A_174, %dma_start3A_175] : memref<128x80xi32, #tpu.memory_space<vmem>> -> memref<3x80xi32, #tpu.memory_space<vmem>>
      %dma_start3A_177 = arith.constant 0 : i32
      %dma_start3A_178 = tpu.memref_slice %arg4[%mul3A_6, %dma_start3A_177] : memref<96x80xi32, #tpu.memory_space<hbm>> -> memref<3x80xi32, #tpu.memory_space<hbm>>
      tpu.enqueue_dma source(%dma_start3A_178 : memref<3x80xi32, #tpu.memory_space<hbm>>) target(%dma_start3A_176 : memref<3x80xi32, #tpu.memory_space<vmem>>) target_semaphore(%run_scoped3A_168 : memref<!tpu.dma_semaphore, #tpu.memory_space<semaphore_mem>>)
      %dma_wait3A_179 = arith.constant 125 : i32
      %dma_wait3A_180 = arith.constant 0 : i32
      %dma_wait3A_181 = tpu.memref_slice %arg8[%dma_wait3A_179, %dma_wait3A_180] : memref<128x80xi32, #tpu.memory_space<vmem>> -> memref<3x80xi32, #tpu.memory_space<vmem>>
      %dma_wait3A_182 = arith.constant 0 : i32
      %dma_wait3A_183 = tpu.memref_slice %arg4[%mul3A_6, %dma_wait3A_182] : memref<96x80xi32, #tpu.memory_space<hbm>> -> memref<3x80xi32, #tpu.memory_space<hbm>>
      %dma_wait3A_184 = arith.constant 125 : i32
      %dma_wait3A_185 = arith.constant 0 : i32
      %dma_wait3A_186 = tpu.memref_slice %arg8[%dma_wait3A_184, %dma_wait3A_185] : memref<128x80xi32, #tpu.memory_space<vmem>> -> memref<3x80xi32, #tpu.memory_space<vmem>>
      %dma_wait3A_187 = arith.constant 0 : i32
      %dma_wait3A_188 = tpu.memref_slice %arg4[%mul3A_6, %dma_wait3A_187] : memref<96x80xi32, #tpu.memory_space<hbm>> -> memref<3x80xi32, #tpu.memory_space<hbm>>
      tpu.wait_dma2 semaphore(%run_scoped3A_168 : memref<!tpu.dma_semaphore, #tpu.memory_space<semaphore_mem>>) src(%dma_wait3A_188 : memref<3x80xi32, #tpu.memory_space<hbm>>) dst(%dma_wait3A_186 : memref<3x80xi32, #tpu.memory_space<vmem>>)
      tpu.yield
    }) : () -> ()
    %barrier3A = arith.constant 0 : index
    tpu.barrier barrier_id(%barrier3A)
    %dma_start3A = arith.constant 0 : i32
    %dma_start3A_8 = arith.constant 0 : i32
    %dma_start3A_9 = arith.constant 0 : i32
    %dma_start3A_10 = arith.constant 0 : i32
    %dma_start3A_11 = tpu.memref_slice %arg9[%dma_start3A_8, %dma_start3A_9, %dma_start3A_10] : memref<8x80x128xbf16, #tpu.memory_space<vmem>> -> memref<1x80x128xbf16, #tpu.memory_space<vmem>>
    %dma_start3A_12 = tpu.memref_squeeze %dma_start3A_11 : memref<1x80x128xbf16, #tpu.memory_space<vmem>> -> memref<80x128xbf16, #tpu.memory_space<vmem>>
    %dma_start3A_13 = arith.constant 0 : i32
    %dma_start3A_14 = tpu.memref_slice %arg7[%dma_start3A, %dma_start3A_13] : memref<128x80xi32, #tpu.memory_space<vmem>> -> memref<1x80xi32, #tpu.memory_space<vmem>>
    %dma_start3A_15 = tpu.memref_squeeze %dma_start3A_14 : memref<1x80xi32, #tpu.memory_space<vmem>> -> memref<80xi32, #tpu.memory_space<vmem>>
    %dma_start3A_16 = arith.constant 0 : i32
    %dma_start3A_17 = arith.constant 0 : i32
    %dma_start3A_18 = tpu.memref_slice %arg2[%dma_start3A_16, %dma_start3A_17] : memref<10240x128xbf16, #tpu.memory_space<hbm>> -> memref<10240x128xbf16, #tpu.memory_space<hbm>>
    tpu.enqueue_indirect_dma source(%dma_start3A_18 : memref<10240x128xbf16, #tpu.memory_space<hbm>>) target(%dma_start3A_12 : memref<80x128xbf16, #tpu.memory_space<vmem>>) offsets(%dma_start3A_15 : memref<80xi32, #tpu.memory_space<vmem>>) semaphore(%arg10 : memref<!tpu.dma_semaphore, #tpu.memory_space<semaphore_mem>>)
    %dma_start3A_19 = arith.constant 1 : i32
    %dma_start3A_20 = arith.constant 1 : i32
    %dma_start3A_21 = arith.constant 0 : i32
    %dma_start3A_22 = arith.constant 0 : i32
    %dma_start3A_23 = tpu.memref_slice %arg9[%dma_start3A_20, %dma_start3A_21, %dma_start3A_22] : memref<8x80x128xbf16, #tpu.memory_space<vmem>> -> memref<1x80x128xbf16, #tpu.memory_space<vmem>>
    %dma_start3A_24 = tpu.memref_squeeze %dma_start3A_23 : memref<1x80x128xbf16, #tpu.memory_space<vmem>> -> memref<80x128xbf16, #tpu.memory_space<vmem>>
    %dma_start3A_25 = arith.constant 0 : i32
    %dma_start3A_26 = tpu.memref_slice %arg7[%dma_start3A_19, %dma_start3A_25] : memref<128x80xi32, #tpu.memory_space<vmem>> -> memref<1x80xi32, #tpu.memory_space<vmem>>
    %dma_start3A_27 = tpu.memref_squeeze %dma_start3A_26 : memref<1x80xi32, #tpu.memory_space<vmem>> -> memref<80xi32, #tpu.memory_space<vmem>>
    %dma_start3A_28 = arith.constant 0 : i32
    %dma_start3A_29 = arith.constant 0 : i32
    %dma_start3A_30 = tpu.memref_slice %arg2[%dma_start3A_28, %dma_start3A_29] : memref<10240x128xbf16, #tpu.memory_space<hbm>> -> memref<10240x128xbf16, #tpu.memory_space<hbm>>
    tpu.enqueue_indirect_dma source(%dma_start3A_30 : memref<10240x128xbf16, #tpu.memory_space<hbm>>) target(%dma_start3A_24 : memref<80x128xbf16, #tpu.memory_space<vmem>>) offsets(%dma_start3A_27 : memref<80xi32, #tpu.memory_space<vmem>>) semaphore(%arg11 : memref<!tpu.dma_semaphore, #tpu.memory_space<semaphore_mem>>)
    %dma_start3A_31 = arith.constant 2 : i32
    %dma_start3A_32 = arith.constant 2 : i32
    %dma_start3A_33 = arith.constant 0 : i32
    %dma_start3A_34 = arith.constant 0 : i32
    %dma_start3A_35 = tpu.memref_slice %arg9[%dma_start3A_32, %dma_start3A_33, %dma_start3A_34] : memref<8x80x128xbf16, #tpu.memory_space<vmem>> -> memref<1x80x128xbf16, #tpu.memory_space<vmem>>
    %dma_start3A_36 = tpu.memref_squeeze %dma_start3A_35 : memref<1x80x128xbf16, #tpu.memory_space<vmem>> -> memref<80x128xbf16, #tpu.memory_space<vmem>>
    %dma_start3A_37 = arith.constant 0 : i32
    %dma_start3A_38 = tpu.memref_slice %arg7[%dma_start3A_31, %dma_start3A_37] : memref<128x80xi32, #tpu.memory_space<vmem>> -> memref<1x80xi32, #tpu.memory_space<vmem>>
    %dma_start3A_39 = tpu.memref_squeeze %dma_start3A_38 : memref<1x80xi32, #tpu.memory_space<vmem>> -> memref<80xi32, #tpu.memory_space<vmem>>
    %dma_start3A_40 = arith.constant 0 : i32
    %dma_start3A_41 = arith.constant 0 : i32
    %dma_start3A_42 = tpu.memref_slice %arg2[%dma_start3A_40, %dma_start3A_41] : memref<10240x128xbf16, #tpu.memory_space<hbm>> -> memref<10240x128xbf16, #tpu.memory_space<hbm>>
    tpu.enqueue_indirect_dma source(%dma_start3A_42 : memref<10240x128xbf16, #tpu.memory_space<hbm>>) target(%dma_start3A_36 : memref<80x128xbf16, #tpu.memory_space<vmem>>) offsets(%dma_start3A_39 : memref<80xi32, #tpu.memory_space<vmem>>) semaphore(%arg12 : memref<!tpu.dma_semaphore, #tpu.memory_space<semaphore_mem>>)
    %dma_start3A_43 = arith.constant 3 : i32
    %dma_start3A_44 = arith.constant 3 : i32
    %dma_start3A_45 = arith.constant 0 : i32
    %dma_start3A_46 = arith.constant 0 : i32
    %dma_start3A_47 = tpu.memref_slice %arg9[%dma_start3A_44, %dma_start3A_45, %dma_start3A_46] : memref<8x80x128xbf16, #tpu.memory_space<vmem>> -> memref<1x80x128xbf16, #tpu.memory_space<vmem>>
    %dma_start3A_48 = tpu.memref_squeeze %dma_start3A_47 : memref<1x80x128xbf16, #tpu.memory_space<vmem>> -> memref<80x128xbf16, #tpu.memory_space<vmem>>
    %dma_start3A_49 = arith.constant 0 : i32
    %dma_start3A_50 = tpu.memref_slice %arg7[%dma_start3A_43, %dma_start3A_49] : memref<128x80xi32, #tpu.memory_space<vmem>> -> memref<1x80xi32, #tpu.memory_space<vmem>>
    %dma_start3A_51 = tpu.memref_squeeze %dma_start3A_50 : memref<1x80xi32, #tpu.memory_space<vmem>> -> memref<80xi32, #tpu.memory_space<vmem>>
    %dma_start3A_52 = arith.constant 0 : i32
    %dma_start3A_53 = arith.constant 0 : i32
    %dma_start3A_54 = tpu.memref_slice %arg2[%dma_start3A_52, %dma_start3A_53] : memref<10240x128xbf16, #tpu.memory_space<hbm>> -> memref<10240x128xbf16, #tpu.memory_space<hbm>>
    tpu.enqueue_indirect_dma source(%dma_start3A_54 : memref<10240x128xbf16, #tpu.memory_space<hbm>>) target(%dma_start3A_48 : memref<80x128xbf16, #tpu.memory_space<vmem>>) offsets(%dma_start3A_51 : memref<80xi32, #tpu.memory_space<vmem>>) semaphore(%arg13 : memref<!tpu.dma_semaphore, #tpu.memory_space<semaphore_mem>>)
    %scan3A = arith.constant 0 : i32
    %scan3A_55 = arith.constant 0 : i32
    %scan3A_56 = arith.constant 16 : i32
    %scan3A_57 = arith.addi %scan3A_55, %scan3A_56 : i32
    %scan3A_58 = arith.constant 1 : i32
    scf.for %scan3A_168 = %scan3A_55 to %scan3A_57 step %scan3A_58  : i32 {
      %mul3A_169 = arith.constant 8 : i32
      %mul3A_170 = arith.muli %mul3A_169, %scan3A_168 : i32
      %add3A_171 = arith.constant 0 : i32
      %add3A_172 = arith.addi %mul3A_170, %add3A_171 : i32
      %dma_wait3A_173 = arith.constant 0 : i32
      %dma_wait3A_174 = arith.constant 0 : i32
      %dma_wait3A_175 = arith.constant 0 : i32
      %dma_wait3A_176 = tpu.memref_slice %arg9[%dma_wait3A_173, %dma_wait3A_174, %dma_wait3A_175] : memref<8x80x128xbf16, #tpu.memory_space<vmem>> -> memref<1x80x128xbf16, #tpu.memory_space<vmem>>
      %dma_wait3A_177 = tpu.memref_squeeze %dma_wait3A_176 : memref<1x80x128xbf16, #tpu.memory_space<vmem>> -> memref<80x128xbf16, #tpu.memory_space<vmem>>
      %dma_wait3A_178 = arith.constant 0 : i32
      %dma_wait3A_179 = tpu.memref_slice %arg7[%add3A_172, %dma_wait3A_178] : memref<128x80xi32, #tpu.memory_space<vmem>> -> memref<1x80xi32, #tpu.memory_space<vmem>>
      %dma_wait3A_180 = tpu.memref_squeeze %dma_wait3A_179 : memref<1x80xi32, #tpu.memory_space<vmem>> -> memref<80xi32, #tpu.memory_space<vmem>>
      %dma_wait3A_181 = arith.constant 0 : i32
      %dma_wait3A_182 = arith.constant 0 : i32
      %dma_wait3A_183 = tpu.memref_slice %arg2[%dma_wait3A_181, %dma_wait3A_182] : memref<10240x128xbf16, #tpu.memory_space<hbm>> -> memref<10240x128xbf16, #tpu.memory_space<hbm>>
      tpu.wait_indirect_dma semaphore(%arg10 : memref<!tpu.dma_semaphore, #tpu.memory_space<semaphore_mem>>) src(%dma_wait3A_183 : memref<10240x128xbf16, #tpu.memory_space<hbm>>) dst(%dma_wait3A_177 : memref<80x128xbf16, #tpu.memory_space<vmem>>)
      %ge3A = arith.constant 4 : i32
      %ge3A_184 = arith.cmpi sge, %add3A_172, %ge3A : i32
      %convert_element_type3A = arith.extui %ge3A_184 : i1 to i32
      %cond3A = arith.constant 0 : i32
      %cond3A_185 = arith.cmpi ne, %convert_element_type3A, %cond3A : i32
      scf.if %cond3A_185 {
        %dma_wait3A_533 = arith.constant 0 : i32
        %dma_wait3A_534 = arith.constant 0 : i32
        %dma_wait3A_535 = arith.constant 0 : i32
        %dma_wait3A_536 = tpu.memref_slice %arg9[%dma_wait3A_533, %dma_wait3A_534, %dma_wait3A_535] : memref<8x80x128xbf16, #tpu.memory_space<vmem>> -> memref<1x80x128xbf16, #tpu.memory_space<vmem>>
        %dma_wait3A_537 = tpu.memref_squeeze %dma_wait3A_536 : memref<1x80x128xbf16, #tpu.memory_space<vmem>> -> memref<80x128xbf16, #tpu.memory_space<vmem>>
        %dma_wait3A_538 = arith.constant 0 : i32
        %dma_wait3A_539 = arith.constant 0 : i32
        %dma_wait3A_540 = tpu.memref_slice %arg5[%dma_wait3A_538, %dma_wait3A_539] : memref<10240x128xbf16, #tpu.memory_space<hbm>> -> memref<80x128xbf16, #tpu.memory_space<hbm>>
        %dma_wait3A_541 = arith.constant 0 : i32
        %dma_wait3A_542 = arith.constant 0 : i32
        %dma_wait3A_543 = tpu.memref_slice %arg9[%dma_wait3A_533, %dma_wait3A_541, %dma_wait3A_542] : memref<8x80x128xbf16, #tpu.memory_space<vmem>> -> memref<1x80x128xbf16, #tpu.memory_space<vmem>>
        %dma_wait3A_544 = tpu.memref_squeeze %dma_wait3A_543 : memref<1x80x128xbf16, #tpu.memory_space<vmem>> -> memref<80x128xbf16, #tpu.memory_space<vmem>>
        %dma_wait3A_545 = arith.constant 0 : i32
        %dma_wait3A_546 = arith.constant 0 : i32
        %dma_wait3A_547 = tpu.memref_slice %arg5[%dma_wait3A_545, %dma_wait3A_546] : memref<10240x128xbf16, #tpu.memory_space<hbm>> -> memref<80x128xbf16, #tpu.memory_space<hbm>>
        tpu.wait_dma2 semaphore(%arg18 : memref<!tpu.dma_semaphore, #tpu.memory_space<semaphore_mem>>) src(%dma_wait3A_547 : memref<80x128xbf16, #tpu.memory_space<hbm>>) dst(%dma_wait3A_544 : memref<80x128xbf16, #tpu.memory_space<vmem>>)
      } else {
      }
      %dma_start3A_186 = arith.constant 0 : i32
      %dma_start3A_187 = arith.constant 0 : i32
      %dma_start3A_188 = arith.constant 0 : i32
      %dma_start3A_189 = tpu.memref_slice %arg9[%dma_start3A_186, %dma_start3A_187, %dma_start3A_188] : memref<8x80x128xbf16, #tpu.memory_space<vmem>> -> memref<1x80x128xbf16, #tpu.memory_space<vmem>>
      %dma_start3A_190 = tpu.memref_squeeze %dma_start3A_189 : memref<1x80x128xbf16, #tpu.memory_space<vmem>> -> memref<80x128xbf16, #tpu.memory_space<vmem>>
      %dma_start3A_191 = arith.constant 0 : i32
      %dma_start3A_192 = tpu.memref_slice %arg8[%add3A_172, %dma_start3A_191] : memref<128x80xi32, #tpu.memory_space<vmem>> -> memref<1x80xi32, #tpu.memory_space<vmem>>
      %dma_start3A_193 = tpu.memref_squeeze %dma_start3A_192 : memref<1x80xi32, #tpu.memory_space<vmem>> -> memref<80xi32, #tpu.memory_space<vmem>>
      %dma_start3A_194 = arith.constant 0 : i32
      %dma_start3A_195 = arith.constant 0 : i32
      %dma_start3A_196 = tpu.memref_slice %arg19[%dma_start3A_194, %dma_start3A_195] : memref<10240x128xbf16, #tpu.memory_space<vmem_shared>> -> memref<10240x128xbf16, #tpu.memory_space<vmem_shared>>
      tpu.enqueue_indirect_dma source(%dma_start3A_190 : memref<80x128xbf16, #tpu.memory_space<vmem>>) target(%dma_start3A_196 : memref<10240x128xbf16, #tpu.memory_space<vmem_shared>>) offsets(%dma_start3A_193 : memref<80xi32, #tpu.memory_space<vmem>>) semaphore(%arg18 : memref<!tpu.dma_semaphore, #tpu.memory_space<semaphore_mem>>) {add = true}
      %add3A_197 = arith.constant 4 : i32
      %add3A_198 = arith.addi %add3A_172, %add3A_197 : i32
      %rem3A = arith.constant 128 : i32
      %rem3A_199 = arith.remsi %add3A_198, %rem3A : i32
      %dma_start3A_200 = arith.constant 4 : i32
      %dma_start3A_201 = arith.constant 0 : i32
      %dma_start3A_202 = arith.constant 0 : i32
      %dma_start3A_203 = tpu.memref_slice %arg9[%dma_start3A_200, %dma_start3A_201, %dma_start3A_202] : memref<8x80x128xbf16, #tpu.memory_space<vmem>> -> memref<1x80x128xbf16, #tpu.memory_space<vmem>>
      %dma_start3A_204 = tpu.memref_squeeze %dma_start3A_203 : memref<1x80x128xbf16, #tpu.memory_space<vmem>> -> memref<80x128xbf16, #tpu.memory_space<vmem>>
      %dma_start3A_205 = arith.constant 0 : i32
      %dma_start3A_206 = tpu.memref_slice %arg7[%rem3A_199, %dma_start3A_205] : memref<128x80xi32, #tpu.memory_space<vmem>> -> memref<1x80xi32, #tpu.memory_space<vmem>>
      %dma_start3A_207 = tpu.memref_squeeze %dma_start3A_206 : memref<1x80xi32, #tpu.memory_space<vmem>> -> memref<80xi32, #tpu.memory_space<vmem>>
      %dma_start3A_208 = arith.constant 0 : i32
      %dma_start3A_209 = arith.constant 0 : i32
      %dma_start3A_210 = tpu.memref_slice %arg2[%dma_start3A_208, %dma_start3A_209] : memref<10240x128xbf16, #tpu.memory_space<hbm>> -> memref<10240x128xbf16, #tpu.memory_space<hbm>>
      tpu.enqueue_indirect_dma source(%dma_start3A_210 : memref<10240x128xbf16, #tpu.memory_space<hbm>>) target(%dma_start3A_204 : memref<80x128xbf16, #tpu.memory_space<vmem>>) offsets(%dma_start3A_207 : memref<80xi32, #tpu.memory_space<vmem>>) semaphore(%arg14 : memref<!tpu.dma_semaphore, #tpu.memory_space<semaphore_mem>>)
      %mul3A_211 = arith.constant 8 : i32
      %mul3A_212 = arith.muli %mul3A_211, %scan3A_168 : i32
      %add3A_213 = arith.constant 1 : i32
      %add3A_214 = arith.addi %mul3A_212, %add3A_213 : i32
      %dma_wait3A_215 = arith.constant 1 : i32
      %dma_wait3A_216 = arith.constant 0 : i32
      %dma_wait3A_217 = arith.constant 0 : i32
      %dma_wait3A_218 = tpu.memref_slice %arg9[%dma_wait3A_215, %dma_wait3A_216, %dma_wait3A_217] : memref<8x80x128xbf16, #tpu.memory_space<vmem>> -> memref<1x80x128xbf16, #tpu.memory_space<vmem>>
      %dma_wait3A_219 = tpu.memref_squeeze %dma_wait3A_218 : memref<1x80x128xbf16, #tpu.memory_space<vmem>> -> memref<80x128xbf16, #tpu.memory_space<vmem>>
      %dma_wait3A_220 = arith.constant 0 : i32
      %dma_wait3A_221 = tpu.memref_slice %arg7[%add3A_214, %dma_wait3A_220] : memref<128x80xi32, #tpu.memory_space<vmem>> -> memref<1x80xi32, #tpu.memory_space<vmem>>
      %dma_wait3A_222 = tpu.memref_squeeze %dma_wait3A_221 : memref<1x80xi32, #tpu.memory_space<vmem>> -> memref<80xi32, #tpu.memory_space<vmem>>
      %dma_wait3A_223 = arith.constant 0 : i32
      %dma_wait3A_224 = arith.constant 0 : i32
      %dma_wait3A_225 = tpu.memref_slice %arg2[%dma_wait3A_223, %dma_wait3A_224] : memref<10240x128xbf16, #tpu.memory_space<hbm>> -> memref<10240x128xbf16, #tpu.memory_space<hbm>>
      tpu.wait_indirect_dma semaphore(%arg11 : memref<!tpu.dma_semaphore, #tpu.memory_space<semaphore_mem>>) src(%dma_wait3A_225 : memref<10240x128xbf16, #tpu.memory_space<hbm>>) dst(%dma_wait3A_219 : memref<80x128xbf16, #tpu.memory_space<vmem>>)
      %ge3A_226 = arith.constant 4 : i32
      %ge3A_227 = arith.cmpi sge, %add3A_214, %ge3A_226 : i32
      %convert_element_type3A_228 = arith.extui %ge3A_227 : i1 to i32
      %cond3A_229 = arith.constant 0 : i32
      %cond3A_230 = arith.cmpi ne, %convert_element_type3A_228, %cond3A_229 : i32
      scf.if %cond3A_230 {
        %dma_wait3A_533 = arith.constant 0 : i32
        %dma_wait3A_534 = arith.constant 0 : i32
        %dma_wait3A_535 = arith.constant 0 : i32
        %dma_wait3A_536 = tpu.memref_slice %arg9[%dma_wait3A_533, %dma_wait3A_534, %dma_wait3A_535] : memref<8x80x128xbf16, #tpu.memory_space<vmem>> -> memref<1x80x128xbf16, #tpu.memory_space<vmem>>
        %dma_wait3A_537 = tpu.memref_squeeze %dma_wait3A_536 : memref<1x80x128xbf16, #tpu.memory_space<vmem>> -> memref<80x128xbf16, #tpu.memory_space<vmem>>
        %dma_wait3A_538 = arith.constant 0 : i32
        %dma_wait3A_539 = arith.constant 0 : i32
        %dma_wait3A_540 = tpu.memref_slice %arg5[%dma_wait3A_538, %dma_wait3A_539] : memref<10240x128xbf16, #tpu.memory_space<hbm>> -> memref<80x128xbf16, #tpu.memory_space<hbm>>
        %dma_wait3A_541 = arith.constant 0 : i32
        %dma_wait3A_542 = arith.constant 0 : i32
        %dma_wait3A_543 = tpu.memref_slice %arg9[%dma_wait3A_533, %dma_wait3A_541, %dma_wait3A_542] : memref<8x80x128xbf16, #tpu.memory_space<vmem>> -> memref<1x80x128xbf16, #tpu.memory_space<vmem>>
        %dma_wait3A_544 = tpu.memref_squeeze %dma_wait3A_543 : memref<1x80x128xbf16, #tpu.memory_space<vmem>> -> memref<80x128xbf16, #tpu.memory_space<vmem>>
        %dma_wait3A_545 = arith.constant 0 : i32
        %dma_wait3A_546 = arith.constant 0 : i32
        %dma_wait3A_547 = tpu.memref_slice %arg5[%dma_wait3A_545, %dma_wait3A_546] : memref<10240x128xbf16, #tpu.memory_space<hbm>> -> memref<80x128xbf16, #tpu.memory_space<hbm>>
        tpu.wait_dma2 semaphore(%arg18 : memref<!tpu.dma_semaphore, #tpu.memory_space<semaphore_mem>>) src(%dma_wait3A_547 : memref<80x128xbf16, #tpu.memory_space<hbm>>) dst(%dma_wait3A_544 : memref<80x128xbf16, #tpu.memory_space<vmem>>)
      } else {
      }
      %dma_start3A_231 = arith.constant 1 : i32
      %dma_start3A_232 = arith.constant 0 : i32
      %dma_start3A_233 = arith.constant 0 : i32
      %dma_start3A_234 = tpu.memref_slice %arg9[%dma_start3A_231, %dma_start3A_232, %dma_start3A_233] : memref<8x80x128xbf16, #tpu.memory_space<vmem>> -> memref<1x80x128xbf16, #tpu.memory_space<vmem>>
      %dma_start3A_235 = tpu.memref_squeeze %dma_start3A_234 : memref<1x80x128xbf16, #tpu.memory_space<vmem>> -> memref<80x128xbf16, #tpu.memory_space<vmem>>
      %dma_start3A_236 = arith.constant 0 : i32
      %dma_start3A_237 = tpu.memref_slice %arg8[%add3A_214, %dma_start3A_236] : memref<128x80xi32, #tpu.memory_space<vmem>> -> memref<1x80xi32, #tpu.memory_space<vmem>>
      %dma_start3A_238 = tpu.memref_squeeze %dma_start3A_237 : memref<1x80xi32, #tpu.memory_space<vmem>> -> memref<80xi32, #tpu.memory_space<vmem>>
      %dma_start3A_239 = arith.constant 0 : i32
      %dma_start3A_240 = arith.constant 0 : i32
      %dma_start3A_241 = tpu.memref_slice %arg19[%dma_start3A_239, %dma_start3A_240] : memref<10240x128xbf16, #tpu.memory_space<vmem_shared>> -> memref<10240x128xbf16, #tpu.memory_space<vmem_shared>>
      tpu.enqueue_indirect_dma source(%dma_start3A_235 : memref<80x128xbf16, #tpu.memory_space<vmem>>) target(%dma_start3A_241 : memref<10240x128xbf16, #tpu.memory_space<vmem_shared>>) offsets(%dma_start3A_238 : memref<80xi32, #tpu.memory_space<vmem>>) semaphore(%arg18 : memref<!tpu.dma_semaphore, #tpu.memory_space<semaphore_mem>>) {add = true}
      %add3A_242 = arith.constant 4 : i32
      %add3A_243 = arith.addi %add3A_214, %add3A_242 : i32
      %rem3A_244 = arith.constant 128 : i32
      %rem3A_245 = arith.remsi %add3A_243, %rem3A_244 : i32
      %dma_start3A_246 = arith.constant 5 : i32
      %dma_start3A_247 = arith.constant 0 : i32
      %dma_start3A_248 = arith.constant 0 : i32
      %dma_start3A_249 = tpu.memref_slice %arg9[%dma_start3A_246, %dma_start3A_247, %dma_start3A_248] : memref<8x80x128xbf16, #tpu.memory_space<vmem>> -> memref<1x80x128xbf16, #tpu.memory_space<vmem>>
      %dma_start3A_250 = tpu.memref_squeeze %dma_start3A_249 : memref<1x80x128xbf16, #tpu.memory_space<vmem>> -> memref<80x128xbf16, #tpu.memory_space<vmem>>
      %dma_start3A_251 = arith.constant 0 : i32
      %dma_start3A_252 = tpu.memref_slice %arg7[%rem3A_245, %dma_start3A_251] : memref<128x80xi32, #tpu.memory_space<vmem>> -> memref<1x80xi32, #tpu.memory_space<vmem>>
      %dma_start3A_253 = tpu.memref_squeeze %dma_start3A_252 : memref<1x80xi32, #tpu.memory_space<vmem>> -> memref<80xi32, #tpu.memory_space<vmem>>
      %dma_start3A_254 = arith.constant 0 : i32
      %dma_start3A_255 = arith.constant 0 : i32
      %dma_start3A_256 = tpu.memref_slice %arg2[%dma_start3A_254, %dma_start3A_255] : memref<10240x128xbf16, #tpu.memory_space<hbm>> -> memref<10240x128xbf16, #tpu.memory_space<hbm>>
      tpu.enqueue_indirect_dma source(%dma_start3A_256 : memref<10240x128xbf16, #tpu.memory_space<hbm>>) target(%dma_start3A_250 : memref<80x128xbf16, #tpu.memory_space<vmem>>) offsets(%dma_start3A_253 : memref<80xi32, #tpu.memory_space<vmem>>) semaphore(%arg15 : memref<!tpu.dma_semaphore, #tpu.memory_space<semaphore_mem>>)
      %mul3A_257 = arith.constant 8 : i32
      %mul3A_258 = arith.muli %mul3A_257, %scan3A_168 : i32
      %add3A_259 = arith.constant 2 : i32
      %add3A_260 = arith.addi %mul3A_258, %add3A_259 : i32
      %dma_wait3A_261 = arith.constant 2 : i32
      %dma_wait3A_262 = arith.constant 0 : i32
      %dma_wait3A_263 = arith.constant 0 : i32
      %dma_wait3A_264 = tpu.memref_slice %arg9[%dma_wait3A_261, %dma_wait3A_262, %dma_wait3A_263] : memref<8x80x128xbf16, #tpu.memory_space<vmem>> -> memref<1x80x128xbf16, #tpu.memory_space<vmem>>
      %dma_wait3A_265 = tpu.memref_squeeze %dma_wait3A_264 : memref<1x80x128xbf16, #tpu.memory_space<vmem>> -> memref<80x128xbf16, #tpu.memory_space<vmem>>
      %dma_wait3A_266 = arith.constant 0 : i32
      %dma_wait3A_267 = tpu.memref_slice %arg7[%add3A_260, %dma_wait3A_266] : memref<128x80xi32, #tpu.memory_space<vmem>> -> memref<1x80xi32, #tpu.memory_space<vmem>>
      %dma_wait3A_268 = tpu.memref_squeeze %dma_wait3A_267 : memref<1x80xi32, #tpu.memory_space<vmem>> -> memref<80xi32, #tpu.memory_space<vmem>>
      %dma_wait3A_269 = arith.constant 0 : i32
      %dma_wait3A_270 = arith.constant 0 : i32
      %dma_wait3A_271 = tpu.memref_slice %arg2[%dma_wait3A_269, %dma_wait3A_270] : memref<10240x128xbf16, #tpu.memory_space<hbm>> -> memref<10240x128xbf16, #tpu.memory_space<hbm>>
      tpu.wait_indirect_dma semaphore(%arg12 : memref<!tpu.dma_semaphore, #tpu.memory_space<semaphore_mem>>) src(%dma_wait3A_271 : memref<10240x128xbf16, #tpu.memory_space<hbm>>) dst(%dma_wait3A_265 : memref<80x128xbf16, #tpu.memory_space<vmem>>)
      %ge3A_272 = arith.constant 4 : i32
      %ge3A_273 = arith.cmpi sge, %add3A_260, %ge3A_272 : i32
      %convert_element_type3A_274 = arith.extui %ge3A_273 : i1 to i32
      %cond3A_275 = arith.constant 0 : i32
      %cond3A_276 = arith.cmpi ne, %convert_element_type3A_274, %cond3A_275 : i32
      scf.if %cond3A_276 {
        %dma_wait3A_533 = arith.constant 0 : i32
        %dma_wait3A_534 = arith.constant 0 : i32
        %dma_wait3A_535 = arith.constant 0 : i32
        %dma_wait3A_536 = tpu.memref_slice %arg9[%dma_wait3A_533, %dma_wait3A_534, %dma_wait3A_535] : memref<8x80x128xbf16, #tpu.memory_space<vmem>> -> memref<1x80x128xbf16, #tpu.memory_space<vmem>>
        %dma_wait3A_537 = tpu.memref_squeeze %dma_wait3A_536 : memref<1x80x128xbf16, #tpu.memory_space<vmem>> -> memref<80x128xbf16, #tpu.memory_space<vmem>>
        %dma_wait3A_538 = arith.constant 0 : i32
        %dma_wait3A_539 = arith.constant 0 : i32
        %dma_wait3A_540 = tpu.memref_slice %arg5[%dma_wait3A_538, %dma_wait3A_539] : memref<10240x128xbf16, #tpu.memory_space<hbm>> -> memref<80x128xbf16, #tpu.memory_space<hbm>>
        %dma_wait3A_541 = arith.constant 0 : i32
        %dma_wait3A_542 = arith.constant 0 : i32
        %dma_wait3A_543 = tpu.memref_slice %arg9[%dma_wait3A_533, %dma_wait3A_541, %dma_wait3A_542] : memref<8x80x128xbf16, #tpu.memory_space<vmem>> -> memref<1x80x128xbf16, #tpu.memory_space<vmem>>
        %dma_wait3A_544 = tpu.memref_squeeze %dma_wait3A_543 : memref<1x80x128xbf16, #tpu.memory_space<vmem>> -> memref<80x128xbf16, #tpu.memory_space<vmem>>
        %dma_wait3A_545 = arith.constant 0 : i32
        %dma_wait3A_546 = arith.constant 0 : i32
        %dma_wait3A_547 = tpu.memref_slice %arg5[%dma_wait3A_545, %dma_wait3A_546] : memref<10240x128xbf16, #tpu.memory_space<hbm>> -> memref<80x128xbf16, #tpu.memory_space<hbm>>
        tpu.wait_dma2 semaphore(%arg18 : memref<!tpu.dma_semaphore, #tpu.memory_space<semaphore_mem>>) src(%dma_wait3A_547 : memref<80x128xbf16, #tpu.memory_space<hbm>>) dst(%dma_wait3A_544 : memref<80x128xbf16, #tpu.memory_space<vmem>>)
      } else {
      }
      %dma_start3A_277 = arith.constant 2 : i32
      %dma_start3A_278 = arith.constant 0 : i32
      %dma_start3A_279 = arith.constant 0 : i32
      %dma_start3A_280 = tpu.memref_slice %arg9[%dma_start3A_277, %dma_start3A_278, %dma_start3A_279] : memref<8x80x128xbf16, #tpu.memory_space<vmem>> -> memref<1x80x128xbf16, #tpu.memory_space<vmem>>
      %dma_start3A_281 = tpu.memref_squeeze %dma_start3A_280 : memref<1x80x128xbf16, #tpu.memory_space<vmem>> -> memref<80x128xbf16, #tpu.memory_space<vmem>>
      %dma_start3A_282 = arith.constant 0 : i32
      %dma_start3A_283 = tpu.memref_slice %arg8[%add3A_260, %dma_start3A_282] : memref<128x80xi32, #tpu.memory_space<vmem>> -> memref<1x80xi32, #tpu.memory_space<vmem>>
      %dma_start3A_284 = tpu.memref_squeeze %dma_start3A_283 : memref<1x80xi32, #tpu.memory_space<vmem>> -> memref<80xi32, #tpu.memory_space<vmem>>
      %dma_start3A_285 = arith.constant 0 : i32
      %dma_start3A_286 = arith.constant 0 : i32
      %dma_start3A_287 = tpu.memref_slice %arg19[%dma_start3A_285, %dma_start3A_286] : memref<10240x128xbf16, #tpu.memory_space<vmem_shared>> -> memref<10240x128xbf16, #tpu.memory_space<vmem_shared>>
      tpu.enqueue_indirect_dma source(%dma_start3A_281 : memref<80x128xbf16, #tpu.memory_space<vmem>>) target(%dma_start3A_287 : memref<10240x128xbf16, #tpu.memory_space<vmem_shared>>) offsets(%dma_start3A_284 : memref<80xi32, #tpu.memory_space<vmem>>) semaphore(%arg18 : memref<!tpu.dma_semaphore, #tpu.memory_space<semaphore_mem>>) {add = true}
      %add3A_288 = arith.constant 4 : i32
      %add3A_289 = arith.addi %add3A_260, %add3A_288 : i32
      %rem3A_290 = arith.constant 128 : i32
      %rem3A_291 = arith.remsi %add3A_289, %rem3A_290 : i32
      %dma_start3A_292 = arith.constant 6 : i32
      %dma_start3A_293 = arith.constant 0 : i32
      %dma_start3A_294 = arith.constant 0 : i32
      %dma_start3A_295 = tpu.memref_slice %arg9[%dma_start3A_292, %dma_start3A_293, %dma_start3A_294] : memref<8x80x128xbf16, #tpu.memory_space<vmem>> -> memref<1x80x128xbf16, #tpu.memory_space<vmem>>
      %dma_start3A_296 = tpu.memref_squeeze %dma_start3A_295 : memref<1x80x128xbf16, #tpu.memory_space<vmem>> -> memref<80x128xbf16, #tpu.memory_space<vmem>>
      %dma_start3A_297 = arith.constant 0 : i32
      %dma_start3A_298 = tpu.memref_slice %arg7[%rem3A_291, %dma_start3A_297] : memref<128x80xi32, #tpu.memory_space<vmem>> -> memref<1x80xi32, #tpu.memory_space<vmem>>
      %dma_start3A_299 = tpu.memref_squeeze %dma_start3A_298 : memref<1x80xi32, #tpu.memory_space<vmem>> -> memref<80xi32, #tpu.memory_space<vmem>>
      %dma_start3A_300 = arith.constant 0 : i32
      %dma_start3A_301 = arith.constant 0 : i32
      %dma_start3A_302 = tpu.memref_slice %arg2[%dma_start3A_300, %dma_start3A_301] : memref<10240x128xbf16, #tpu.memory_space<hbm>> -> memref<10240x128xbf16, #tpu.memory_space<hbm>>
      tpu.enqueue_indirect_dma source(%dma_start3A_302 : memref<10240x128xbf16, #tpu.memory_space<hbm>>) target(%dma_start3A_296 : memref<80x128xbf16, #tpu.memory_space<vmem>>) offsets(%dma_start3A_299 : memref<80xi32, #tpu.memory_space<vmem>>) semaphore(%arg16 : memref<!tpu.dma_semaphore, #tpu.memory_space<semaphore_mem>>)
      %mul3A_303 = arith.constant 8 : i32
      %mul3A_304 = arith.muli %mul3A_303, %scan3A_168 : i32
      %add3A_305 = arith.constant 3 : i32
      %add3A_306 = arith.addi %mul3A_304, %add3A_305 : i32
      %dma_wait3A_307 = arith.constant 3 : i32
      %dma_wait3A_308 = arith.constant 0 : i32
      %dma_wait3A_309 = arith.constant 0 : i32
      %dma_wait3A_310 = tpu.memref_slice %arg9[%dma_wait3A_307, %dma_wait3A_308, %dma_wait3A_309] : memref<8x80x128xbf16, #tpu.memory_space<vmem>> -> memref<1x80x128xbf16, #tpu.memory_space<vmem>>
      %dma_wait3A_311 = tpu.memref_squeeze %dma_wait3A_310 : memref<1x80x128xbf16, #tpu.memory_space<vmem>> -> memref<80x128xbf16, #tpu.memory_space<vmem>>
      %dma_wait3A_312 = arith.constant 0 : i32
      %dma_wait3A_313 = tpu.memref_slice %arg7[%add3A_306, %dma_wait3A_312] : memref<128x80xi32, #tpu.memory_space<vmem>> -> memref<1x80xi32, #tpu.memory_space<vmem>>
      %dma_wait3A_314 = tpu.memref_squeeze %dma_wait3A_313 : memref<1x80xi32, #tpu.memory_space<vmem>> -> memref<80xi32, #tpu.memory_space<vmem>>
      %dma_wait3A_315 = arith.constant 0 : i32
      %dma_wait3A_316 = arith.constant 0 : i32
      %dma_wait3A_317 = tpu.memref_slice %arg2[%dma_wait3A_315, %dma_wait3A_316] : memref<10240x128xbf16, #tpu.memory_space<hbm>> -> memref<10240x128xbf16, #tpu.memory_space<hbm>>
      tpu.wait_indirect_dma semaphore(%arg13 : memref<!tpu.dma_semaphore, #tpu.memory_space<semaphore_mem>>) src(%dma_wait3A_317 : memref<10240x128xbf16, #tpu.memory_space<hbm>>) dst(%dma_wait3A_311 : memref<80x128xbf16, #tpu.memory_space<vmem>>)
      %ge3A_318 = arith.constant 4 : i32
      %ge3A_319 = arith.cmpi sge, %add3A_306, %ge3A_318 : i32
      %convert_element_type3A_320 = arith.extui %ge3A_319 : i1 to i32
      %cond3A_321 = arith.constant 0 : i32
      %cond3A_322 = arith.cmpi ne, %convert_element_type3A_320, %cond3A_321 : i32
      scf.if %cond3A_322 {
        %dma_wait3A_533 = arith.constant 0 : i32
        %dma_wait3A_534 = arith.constant 0 : i32
        %dma_wait3A_535 = arith.constant 0 : i32
        %dma_wait3A_536 = tpu.memref_slice %arg9[%dma_wait3A_533, %dma_wait3A_534, %dma_wait3A_535] : memref<8x80x128xbf16, #tpu.memory_space<vmem>> -> memref<1x80x128xbf16, #tpu.memory_space<vmem>>
        %dma_wait3A_537 = tpu.memref_squeeze %dma_wait3A_536 : memref<1x80x128xbf16, #tpu.memory_space<vmem>> -> memref<80x128xbf16, #tpu.memory_space<vmem>>
        %dma_wait3A_538 = arith.constant 0 : i32
        %dma_wait3A_539 = arith.constant 0 : i32
        %dma_wait3A_540 = tpu.memref_slice %arg5[%dma_wait3A_538, %dma_wait3A_539] : memref<10240x128xbf16, #tpu.memory_space<hbm>> -> memref<80x128xbf16, #tpu.memory_space<hbm>>
        %dma_wait3A_541 = arith.constant 0 : i32
        %dma_wait3A_542 = arith.constant 0 : i32
        %dma_wait3A_543 = tpu.memref_slice %arg9[%dma_wait3A_533, %dma_wait3A_541, %dma_wait3A_542] : memref<8x80x128xbf16, #tpu.memory_space<vmem>> -> memref<1x80x128xbf16, #tpu.memory_space<vmem>>
        %dma_wait3A_544 = tpu.memref_squeeze %dma_wait3A_543 : memref<1x80x128xbf16, #tpu.memory_space<vmem>> -> memref<80x128xbf16, #tpu.memory_space<vmem>>
        %dma_wait3A_545 = arith.constant 0 : i32
        %dma_wait3A_546 = arith.constant 0 : i32
        %dma_wait3A_547 = tpu.memref_slice %arg5[%dma_wait3A_545, %dma_wait3A_546] : memref<10240x128xbf16, #tpu.memory_space<hbm>> -> memref<80x128xbf16, #tpu.memory_space<hbm>>
        tpu.wait_dma2 semaphore(%arg18 : memref<!tpu.dma_semaphore, #tpu.memory_space<semaphore_mem>>) src(%dma_wait3A_547 : memref<80x128xbf16, #tpu.memory_space<hbm>>) dst(%dma_wait3A_544 : memref<80x128xbf16, #tpu.memory_space<vmem>>)
      } else {
      }
      %dma_start3A_323 = arith.constant 3 : i32
      %dma_start3A_324 = arith.constant 0 : i32
      %dma_start3A_325 = arith.constant 0 : i32
      %dma_start3A_326 = tpu.memref_slice %arg9[%dma_start3A_323, %dma_start3A_324, %dma_start3A_325] : memref<8x80x128xbf16, #tpu.memory_space<vmem>> -> memref<1x80x128xbf16, #tpu.memory_space<vmem>>
      %dma_start3A_327 = tpu.memref_squeeze %dma_start3A_326 : memref<1x80x128xbf16, #tpu.memory_space<vmem>> -> memref<80x128xbf16, #tpu.memory_space<vmem>>
      %dma_start3A_328 = arith.constant 0 : i32
      %dma_start3A_329 = tpu.memref_slice %arg8[%add3A_306, %dma_start3A_328] : memref<128x80xi32, #tpu.memory_space<vmem>> -> memref<1x80xi32, #tpu.memory_space<vmem>>
      %dma_start3A_330 = tpu.memref_squeeze %dma_start3A_329 : memref<1x80xi32, #tpu.memory_space<vmem>> -> memref<80xi32, #tpu.memory_space<vmem>>
      %dma_start3A_331 = arith.constant 0 : i32
      %dma_start3A_332 = arith.constant 0 : i32
      %dma_start3A_333 = tpu.memref_slice %arg19[%dma_start3A_331, %dma_start3A_332] : memref<10240x128xbf16, #tpu.memory_space<vmem_shared>> -> memref<10240x128xbf16, #tpu.memory_space<vmem_shared>>
      tpu.enqueue_indirect_dma source(%dma_start3A_327 : memref<80x128xbf16, #tpu.memory_space<vmem>>) target(%dma_start3A_333 : memref<10240x128xbf16, #tpu.memory_space<vmem_shared>>) offsets(%dma_start3A_330 : memref<80xi32, #tpu.memory_space<vmem>>) semaphore(%arg18 : memref<!tpu.dma_semaphore, #tpu.memory_space<semaphore_mem>>) {add = true}
      %add3A_334 = arith.constant 4 : i32
      %add3A_335 = arith.addi %add3A_306, %add3A_334 : i32
      %rem3A_336 = arith.constant 128 : i32
      %rem3A_337 = arith.remsi %add3A_335, %rem3A_336 : i32
      %dma_start3A_338 = arith.constant 7 : i32
      %dma_start3A_339 = arith.constant 0 : i32
      %dma_start3A_340 = arith.constant 0 : i32
      %dma_start3A_341 = tpu.memref_slice %arg9[%dma_start3A_338, %dma_start3A_339, %dma_start3A_340] : memref<8x80x128xbf16, #tpu.memory_space<vmem>> -> memref<1x80x128xbf16, #tpu.memory_space<vmem>>
      %dma_start3A_342 = tpu.memref_squeeze %dma_start3A_341 : memref<1x80x128xbf16, #tpu.memory_space<vmem>> -> memref<80x128xbf16, #tpu.memory_space<vmem>>
      %dma_start3A_343 = arith.constant 0 : i32
      %dma_start3A_344 = tpu.memref_slice %arg7[%rem3A_337, %dma_start3A_343] : memref<128x80xi32, #tpu.memory_space<vmem>> -> memref<1x80xi32, #tpu.memory_space<vmem>>
      %dma_start3A_345 = tpu.memref_squeeze %dma_start3A_344 : memref<1x80xi32, #tpu.memory_space<vmem>> -> memref<80xi32, #tpu.memory_space<vmem>>
      %dma_start3A_346 = arith.constant 0 : i32
      %dma_start3A_347 = arith.constant 0 : i32
      %dma_start3A_348 = tpu.memref_slice %arg2[%dma_start3A_346, %dma_start3A_347] : memref<10240x128xbf16, #tpu.memory_space<hbm>> -> memref<10240x128xbf16, #tpu.memory_space<hbm>>
      tpu.enqueue_indirect_dma source(%dma_start3A_348 : memref<10240x128xbf16, #tpu.memory_space<hbm>>) target(%dma_start3A_342 : memref<80x128xbf16, #tpu.memory_space<vmem>>) offsets(%dma_start3A_345 : memref<80xi32, #tpu.memory_space<vmem>>) semaphore(%arg17 : memref<!tpu.dma_semaphore, #tpu.memory_space<semaphore_mem>>)
      %mul3A_349 = arith.constant 8 : i32
      %mul3A_350 = arith.muli %mul3A_349, %scan3A_168 : i32
      %add3A_351 = arith.constant 4 : i32
      %add3A_352 = arith.addi %mul3A_350, %add3A_351 : i32
      %dma_wait3A_353 = arith.constant 4 : i32
      %dma_wait3A_354 = arith.constant 0 : i32
      %dma_wait3A_355 = arith.constant 0 : i32
      %dma_wait3A_356 = tpu.memref_slice %arg9[%dma_wait3A_353, %dma_wait3A_354, %dma_wait3A_355] : memref<8x80x128xbf16, #tpu.memory_space<vmem>> -> memref<1x80x128xbf16, #tpu.memory_space<vmem>>
      %dma_wait3A_357 = tpu.memref_squeeze %dma_wait3A_356 : memref<1x80x128xbf16, #tpu.memory_space<vmem>> -> memref<80x128xbf16, #tpu.memory_space<vmem>>
      %dma_wait3A_358 = arith.constant 0 : i32
      %dma_wait3A_359 = tpu.memref_slice %arg7[%add3A_352, %dma_wait3A_358] : memref<128x80xi32, #tpu.memory_space<vmem>> -> memref<1x80xi32, #tpu.memory_space<vmem>>
      %dma_wait3A_360 = tpu.memref_squeeze %dma_wait3A_359 : memref<1x80xi32, #tpu.memory_space<vmem>> -> memref<80xi32, #tpu.memory_space<vmem>>
      %dma_wait3A_361 = arith.constant 0 : i32
      %dma_wait3A_362 = arith.constant 0 : i32
      %dma_wait3A_363 = tpu.memref_slice %arg2[%dma_wait3A_361, %dma_wait3A_362] : memref<10240x128xbf16, #tpu.memory_space<hbm>> -> memref<10240x128xbf16, #tpu.memory_space<hbm>>
      tpu.wait_indirect_dma semaphore(%arg14 : memref<!tpu.dma_semaphore, #tpu.memory_space<semaphore_mem>>) src(%dma_wait3A_363 : memref<10240x128xbf16, #tpu.memory_space<hbm>>) dst(%dma_wait3A_357 : memref<80x128xbf16, #tpu.memory_space<vmem>>)
      %ge3A_364 = arith.constant 4 : i32
      %ge3A_365 = arith.cmpi sge, %add3A_352, %ge3A_364 : i32
      %convert_element_type3A_366 = arith.extui %ge3A_365 : i1 to i32
      %cond3A_367 = arith.constant 0 : i32
      %cond3A_368 = arith.cmpi ne, %convert_element_type3A_366, %cond3A_367 : i32
      scf.if %cond3A_368 {
        %dma_wait3A_533 = arith.constant 0 : i32
        %dma_wait3A_534 = arith.constant 0 : i32
        %dma_wait3A_535 = arith.constant 0 : i32
        %dma_wait3A_536 = tpu.memref_slice %arg9[%dma_wait3A_533, %dma_wait3A_534, %dma_wait3A_535] : memref<8x80x128xbf16, #tpu.memory_space<vmem>> -> memref<1x80x128xbf16, #tpu.memory_space<vmem>>
        %dma_wait3A_537 = tpu.memref_squeeze %dma_wait3A_536 : memref<1x80x128xbf16, #tpu.memory_space<vmem>> -> memref<80x128xbf16, #tpu.memory_space<vmem>>
        %dma_wait3A_538 = arith.constant 0 : i32
        %dma_wait3A_539 = arith.constant 0 : i32
        %dma_wait3A_540 = tpu.memref_slice %arg5[%dma_wait3A_538, %dma_wait3A_539] : memref<10240x128xbf16, #tpu.memory_space<hbm>> -> memref<80x128xbf16, #tpu.memory_space<hbm>>
        %dma_wait3A_541 = arith.constant 0 : i32
        %dma_wait3A_542 = arith.constant 0 : i32
        %dma_wait3A_543 = tpu.memref_slice %arg9[%dma_wait3A_533, %dma_wait3A_541, %dma_wait3A_542] : memref<8x80x128xbf16, #tpu.memory_space<vmem>> -> memref<1x80x128xbf16, #tpu.memory_space<vmem>>
        %dma_wait3A_544 = tpu.memref_squeeze %dma_wait3A_543 : memref<1x80x128xbf16, #tpu.memory_space<vmem>> -> memref<80x128xbf16, #tpu.memory_space<vmem>>
        %dma_wait3A_545 = arith.constant 0 : i32
        %dma_wait3A_546 = arith.constant 0 : i32
        %dma_wait3A_547 = tpu.memref_slice %arg5[%dma_wait3A_545, %dma_wait3A_546] : memref<10240x128xbf16, #tpu.memory_space<hbm>> -> memref<80x128xbf16, #tpu.memory_space<hbm>>
        tpu.wait_dma2 semaphore(%arg18 : memref<!tpu.dma_semaphore, #tpu.memory_space<semaphore_mem>>) src(%dma_wait3A_547 : memref<80x128xbf16, #tpu.memory_space<hbm>>) dst(%dma_wait3A_544 : memref<80x128xbf16, #tpu.memory_space<vmem>>)
      } else {
      }
      %dma_start3A_369 = arith.constant 4 : i32
      %dma_start3A_370 = arith.constant 0 : i32
      %dma_start3A_371 = arith.constant 0 : i32
      %dma_start3A_372 = tpu.memref_slice %arg9[%dma_start3A_369, %dma_start3A_370, %dma_start3A_371] : memref<8x80x128xbf16, #tpu.memory_space<vmem>> -> memref<1x80x128xbf16, #tpu.memory_space<vmem>>
      %dma_start3A_373 = tpu.memref_squeeze %dma_start3A_372 : memref<1x80x128xbf16, #tpu.memory_space<vmem>> -> memref<80x128xbf16, #tpu.memory_space<vmem>>
      %dma_start3A_374 = arith.constant 0 : i32
      %dma_start3A_375 = tpu.memref_slice %arg8[%add3A_352, %dma_start3A_374] : memref<128x80xi32, #tpu.memory_space<vmem>> -> memref<1x80xi32, #tpu.memory_space<vmem>>
      %dma_start3A_376 = tpu.memref_squeeze %dma_start3A_375 : memref<1x80xi32, #tpu.memory_space<vmem>> -> memref<80xi32, #tpu.memory_space<vmem>>
      %dma_start3A_377 = arith.constant 0 : i32
      %dma_start3A_378 = arith.constant 0 : i32
      %dma_start3A_379 = tpu.memref_slice %arg19[%dma_start3A_377, %dma_start3A_378] : memref<10240x128xbf16, #tpu.memory_space<vmem_shared>> -> memref<10240x128xbf16, #tpu.memory_space<vmem_shared>>
      tpu.enqueue_indirect_dma source(%dma_start3A_373 : memref<80x128xbf16, #tpu.memory_space<vmem>>) target(%dma_start3A_379 : memref<10240x128xbf16, #tpu.memory_space<vmem_shared>>) offsets(%dma_start3A_376 : memref<80xi32, #tpu.memory_space<vmem>>) semaphore(%arg18 : memref<!tpu.dma_semaphore, #tpu.memory_space<semaphore_mem>>) {add = true}
      %add3A_380 = arith.constant 4 : i32
      %add3A_381 = arith.addi %add3A_352, %add3A_380 : i32
      %rem3A_382 = arith.constant 128 : i32
      %rem3A_383 = arith.remsi %add3A_381, %rem3A_382 : i32
      %dma_start3A_384 = arith.constant 0 : i32
      %dma_start3A_385 = arith.constant 0 : i32
      %dma_start3A_386 = arith.constant 0 : i32
      %dma_start3A_387 = tpu.memref_slice %arg9[%dma_start3A_384, %dma_start3A_385, %dma_start3A_386] : memref<8x80x128xbf16, #tpu.memory_space<vmem>> -> memref<1x80x128xbf16, #tpu.memory_space<vmem>>
      %dma_start3A_388 = tpu.memref_squeeze %dma_start3A_387 : memref<1x80x128xbf16, #tpu.memory_space<vmem>> -> memref<80x128xbf16, #tpu.memory_space<vmem>>
      %dma_start3A_389 = arith.constant 0 : i32
      %dma_start3A_390 = tpu.memref_slice %arg7[%rem3A_383, %dma_start3A_389] : memref<128x80xi32, #tpu.memory_space<vmem>> -> memref<1x80xi32, #tpu.memory_space<vmem>>
      %dma_start3A_391 = tpu.memref_squeeze %dma_start3A_390 : memref<1x80xi32, #tpu.memory_space<vmem>> -> memref<80xi32, #tpu.memory_space<vmem>>
      %dma_start3A_392 = arith.constant 0 : i32
      %dma_start3A_393 = arith.constant 0 : i32
      %dma_start3A_394 = tpu.memref_slice %arg2[%dma_start3A_392, %dma_start3A_393] : memref<10240x128xbf16, #tpu.memory_space<hbm>> -> memref<10240x128xbf16, #tpu.memory_space<hbm>>
      tpu.enqueue_indirect_dma source(%dma_start3A_394 : memref<10240x128xbf16, #tpu.memory_space<hbm>>) target(%dma_start3A_388 : memref<80x128xbf16, #tpu.memory_space<vmem>>) offsets(%dma_start3A_391 : memref<80xi32, #tpu.memory_space<vmem>>) semaphore(%arg10 : memref<!tpu.dma_semaphore, #tpu.memory_space<semaphore_mem>>)
      %mul3A_395 = arith.constant 8 : i32
      %mul3A_396 = arith.muli %mul3A_395, %scan3A_168 : i32
      %add3A_397 = arith.constant 5 : i32
      %add3A_398 = arith.addi %mul3A_396, %add3A_397 : i32
      %dma_wait3A_399 = arith.constant 5 : i32
      %dma_wait3A_400 = arith.constant 0 : i32
      %dma_wait3A_401 = arith.constant 0 : i32
      %dma_wait3A_402 = tpu.memref_slice %arg9[%dma_wait3A_399, %dma_wait3A_400, %dma_wait3A_401] : memref<8x80x128xbf16, #tpu.memory_space<vmem>> -> memref<1x80x128xbf16, #tpu.memory_space<vmem>>
      %dma_wait3A_403 = tpu.memref_squeeze %dma_wait3A_402 : memref<1x80x128xbf16, #tpu.memory_space<vmem>> -> memref<80x128xbf16, #tpu.memory_space<vmem>>
      %dma_wait3A_404 = arith.constant 0 : i32
      %dma_wait3A_405 = tpu.memref_slice %arg7[%add3A_398, %dma_wait3A_404] : memref<128x80xi32, #tpu.memory_space<vmem>> -> memref<1x80xi32, #tpu.memory_space<vmem>>
      %dma_wait3A_406 = tpu.memref_squeeze %dma_wait3A_405 : memref<1x80xi32, #tpu.memory_space<vmem>> -> memref<80xi32, #tpu.memory_space<vmem>>
      %dma_wait3A_407 = arith.constant 0 : i32
      %dma_wait3A_408 = arith.constant 0 : i32
      %dma_wait3A_409 = tpu.memref_slice %arg2[%dma_wait3A_407, %dma_wait3A_408] : memref<10240x128xbf16, #tpu.memory_space<hbm>> -> memref<10240x128xbf16, #tpu.memory_space<hbm>>
      tpu.wait_indirect_dma semaphore(%arg15 : memref<!tpu.dma_semaphore, #tpu.memory_space<semaphore_mem>>) src(%dma_wait3A_409 : memref<10240x128xbf16, #tpu.memory_space<hbm>>) dst(%dma_wait3A_403 : memref<80x128xbf16, #tpu.memory_space<vmem>>)
      %ge3A_410 = arith.constant 4 : i32
      %ge3A_411 = arith.cmpi sge, %add3A_398, %ge3A_410 : i32
      %convert_element_type3A_412 = arith.extui %ge3A_411 : i1 to i32
      %cond3A_413 = arith.constant 0 : i32
      %cond3A_414 = arith.cmpi ne, %convert_element_type3A_412, %cond3A_413 : i32
      scf.if %cond3A_414 {
        %dma_wait3A_533 = arith.constant 0 : i32
        %dma_wait3A_534 = arith.constant 0 : i32
        %dma_wait3A_535 = arith.constant 0 : i32
        %dma_wait3A_536 = tpu.memref_slice %arg9[%dma_wait3A_533, %dma_wait3A_534, %dma_wait3A_535] : memref<8x80x128xbf16, #tpu.memory_space<vmem>> -> memref<1x80x128xbf16, #tpu.memory_space<vmem>>
        %dma_wait3A_537 = tpu.memref_squeeze %dma_wait3A_536 : memref<1x80x128xbf16, #tpu.memory_space<vmem>> -> memref<80x128xbf16, #tpu.memory_space<vmem>>
        %dma_wait3A_538 = arith.constant 0 : i32
        %dma_wait3A_539 = arith.constant 0 : i32
        %dma_wait3A_540 = tpu.memref_slice %arg5[%dma_wait3A_538, %dma_wait3A_539] : memref<10240x128xbf16, #tpu.memory_space<hbm>> -> memref<80x128xbf16, #tpu.memory_space<hbm>>
        %dma_wait3A_541 = arith.constant 0 : i32
        %dma_wait3A_542 = arith.constant 0 : i32
        %dma_wait3A_543 = tpu.memref_slice %arg9[%dma_wait3A_533, %dma_wait3A_541, %dma_wait3A_542] : memref<8x80x128xbf16, #tpu.memory_space<vmem>> -> memref<1x80x128xbf16, #tpu.memory_space<vmem>>
        %dma_wait3A_544 = tpu.memref_squeeze %dma_wait3A_543 : memref<1x80x128xbf16, #tpu.memory_space<vmem>> -> memref<80x128xbf16, #tpu.memory_space<vmem>>
        %dma_wait3A_545 = arith.constant 0 : i32
        %dma_wait3A_546 = arith.constant 0 : i32
        %dma_wait3A_547 = tpu.memref_slice %arg5[%dma_wait3A_545, %dma_wait3A_546] : memref<10240x128xbf16, #tpu.memory_space<hbm>> -> memref<80x128xbf16, #tpu.memory_space<hbm>>
        tpu.wait_dma2 semaphore(%arg18 : memref<!tpu.dma_semaphore, #tpu.memory_space<semaphore_mem>>) src(%dma_wait3A_547 : memref<80x128xbf16, #tpu.memory_space<hbm>>) dst(%dma_wait3A_544 : memref<80x128xbf16, #tpu.memory_space<vmem>>)
      } else {
      }
      %dma_start3A_415 = arith.constant 5 : i32
      %dma_start3A_416 = arith.constant 0 : i32
      %dma_start3A_417 = arith.constant 0 : i32
      %dma_start3A_418 = tpu.memref_slice %arg9[%dma_start3A_415, %dma_start3A_416, %dma_start3A_417] : memref<8x80x128xbf16, #tpu.memory_space<vmem>> -> memref<1x80x128xbf16, #tpu.memory_space<vmem>>
      %dma_start3A_419 = tpu.memref_squeeze %dma_start3A_418 : memref<1x80x128xbf16, #tpu.memory_space<vmem>> -> memref<80x128xbf16, #tpu.memory_space<vmem>>
      %dma_start3A_420 = arith.constant 0 : i32
      %dma_start3A_421 = tpu.memref_slice %arg8[%add3A_398, %dma_start3A_420] : memref<128x80xi32, #tpu.memory_space<vmem>> -> memref<1x80xi32, #tpu.memory_space<vmem>>
      %dma_start3A_422 = tpu.memref_squeeze %dma_start3A_421 : memref<1x80xi32, #tpu.memory_space<vmem>> -> memref<80xi32, #tpu.memory_space<vmem>>
      %dma_start3A_423 = arith.constant 0 : i32
      %dma_start3A_424 = arith.constant 0 : i32
      %dma_start3A_425 = tpu.memref_slice %arg19[%dma_start3A_423, %dma_start3A_424] : memref<10240x128xbf16, #tpu.memory_space<vmem_shared>> -> memref<10240x128xbf16, #tpu.memory_space<vmem_shared>>
      tpu.enqueue_indirect_dma source(%dma_start3A_419 : memref<80x128xbf16, #tpu.memory_space<vmem>>) target(%dma_start3A_425 : memref<10240x128xbf16, #tpu.memory_space<vmem_shared>>) offsets(%dma_start3A_422 : memref<80xi32, #tpu.memory_space<vmem>>) semaphore(%arg18 : memref<!tpu.dma_semaphore, #tpu.memory_space<semaphore_mem>>) {add = true}
      %add3A_426 = arith.constant 4 : i32
      %add3A_427 = arith.addi %add3A_398, %add3A_426 : i32
      %rem3A_428 = arith.constant 128 : i32
      %rem3A_429 = arith.remsi %add3A_427, %rem3A_428 : i32
      %dma_start3A_430 = arith.constant 1 : i32
      %dma_start3A_431 = arith.constant 0 : i32
      %dma_start3A_432 = arith.constant 0 : i32
      %dma_start3A_433 = tpu.memref_slice %arg9[%dma_start3A_430, %dma_start3A_431, %dma_start3A_432] : memref<8x80x128xbf16, #tpu.memory_space<vmem>> -> memref<1x80x128xbf16, #tpu.memory_space<vmem>>
      %dma_start3A_434 = tpu.memref_squeeze %dma_start3A_433 : memref<1x80x128xbf16, #tpu.memory_space<vmem>> -> memref<80x128xbf16, #tpu.memory_space<vmem>>
      %dma_start3A_435 = arith.constant 0 : i32
      %dma_start3A_436 = tpu.memref_slice %arg7[%rem3A_429, %dma_start3A_435] : memref<128x80xi32, #tpu.memory_space<vmem>> -> memref<1x80xi32, #tpu.memory_space<vmem>>
      %dma_start3A_437 = tpu.memref_squeeze %dma_start3A_436 : memref<1x80xi32, #tpu.memory_space<vmem>> -> memref<80xi32, #tpu.memory_space<vmem>>
      %dma_start3A_438 = arith.constant 0 : i32
      %dma_start3A_439 = arith.constant 0 : i32
      %dma_start3A_440 = tpu.memref_slice %arg2[%dma_start3A_438, %dma_start3A_439] : memref<10240x128xbf16, #tpu.memory_space<hbm>> -> memref<10240x128xbf16, #tpu.memory_space<hbm>>
      tpu.enqueue_indirect_dma source(%dma_start3A_440 : memref<10240x128xbf16, #tpu.memory_space<hbm>>) target(%dma_start3A_434 : memref<80x128xbf16, #tpu.memory_space<vmem>>) offsets(%dma_start3A_437 : memref<80xi32, #tpu.memory_space<vmem>>) semaphore(%arg11 : memref<!tpu.dma_semaphore, #tpu.memory_space<semaphore_mem>>)
      %mul3A_441 = arith.constant 8 : i32
      %mul3A_442 = arith.muli %mul3A_441, %scan3A_168 : i32
      %add3A_443 = arith.constant 6 : i32
      %add3A_444 = arith.addi %mul3A_442, %add3A_443 : i32
      %dma_wait3A_445 = arith.constant 6 : i32
      %dma_wait3A_446 = arith.constant 0 : i32
      %dma_wait3A_447 = arith.constant 0 : i32
      %dma_wait3A_448 = tpu.memref_slice %arg9[%dma_wait3A_445, %dma_wait3A_446, %dma_wait3A_447] : memref<8x80x128xbf16, #tpu.memory_space<vmem>> -> memref<1x80x128xbf16, #tpu.memory_space<vmem>>
      %dma_wait3A_449 = tpu.memref_squeeze %dma_wait3A_448 : memref<1x80x128xbf16, #tpu.memory_space<vmem>> -> memref<80x128xbf16, #tpu.memory_space<vmem>>
      %dma_wait3A_450 = arith.constant 0 : i32
      %dma_wait3A_451 = tpu.memref_slice %arg7[%add3A_444, %dma_wait3A_450] : memref<128x80xi32, #tpu.memory_space<vmem>> -> memref<1x80xi32, #tpu.memory_space<vmem>>
      %dma_wait3A_452 = tpu.memref_squeeze %dma_wait3A_451 : memref<1x80xi32, #tpu.memory_space<vmem>> -> memref<80xi32, #tpu.memory_space<vmem>>
      %dma_wait3A_453 = arith.constant 0 : i32
      %dma_wait3A_454 = arith.constant 0 : i32
      %dma_wait3A_455 = tpu.memref_slice %arg2[%dma_wait3A_453, %dma_wait3A_454] : memref<10240x128xbf16, #tpu.memory_space<hbm>> -> memref<10240x128xbf16, #tpu.memory_space<hbm>>
      tpu.wait_indirect_dma semaphore(%arg16 : memref<!tpu.dma_semaphore, #tpu.memory_space<semaphore_mem>>) src(%dma_wait3A_455 : memref<10240x128xbf16, #tpu.memory_space<hbm>>) dst(%dma_wait3A_449 : memref<80x128xbf16, #tpu.memory_space<vmem>>)
      %ge3A_456 = arith.constant 4 : i32
      %ge3A_457 = arith.cmpi sge, %add3A_444, %ge3A_456 : i32
      %convert_element_type3A_458 = arith.extui %ge3A_457 : i1 to i32
      %cond3A_459 = arith.constant 0 : i32
      %cond3A_460 = arith.cmpi ne, %convert_element_type3A_458, %cond3A_459 : i32
      scf.if %cond3A_460 {
        %dma_wait3A_533 = arith.constant 0 : i32
        %dma_wait3A_534 = arith.constant 0 : i32
        %dma_wait3A_535 = arith.constant 0 : i32
        %dma_wait3A_536 = tpu.memref_slice %arg9[%dma_wait3A_533, %dma_wait3A_534, %dma_wait3A_535] : memref<8x80x128xbf16, #tpu.memory_space<vmem>> -> memref<1x80x128xbf16, #tpu.memory_space<vmem>>
        %dma_wait3A_537 = tpu.memref_squeeze %dma_wait3A_536 : memref<1x80x128xbf16, #tpu.memory_space<vmem>> -> memref<80x128xbf16, #tpu.memory_space<vmem>>
        %dma_wait3A_538 = arith.constant 0 : i32
        %dma_wait3A_539 = arith.constant 0 : i32
        %dma_wait3A_540 = tpu.memref_slice %arg5[%dma_wait3A_538, %dma_wait3A_539] : memref<10240x128xbf16, #tpu.memory_space<hbm>> -> memref<80x128xbf16, #tpu.memory_space<hbm>>
        %dma_wait3A_541 = arith.constant 0 : i32
        %dma_wait3A_542 = arith.constant 0 : i32
        %dma_wait3A_543 = tpu.memref_slice %arg9[%dma_wait3A_533, %dma_wait3A_541, %dma_wait3A_542] : memref<8x80x128xbf16, #tpu.memory_space<vmem>> -> memref<1x80x128xbf16, #tpu.memory_space<vmem>>
        %dma_wait3A_544 = tpu.memref_squeeze %dma_wait3A_543 : memref<1x80x128xbf16, #tpu.memory_space<vmem>> -> memref<80x128xbf16, #tpu.memory_space<vmem>>
        %dma_wait3A_545 = arith.constant 0 : i32
        %dma_wait3A_546 = arith.constant 0 : i32
        %dma_wait3A_547 = tpu.memref_slice %arg5[%dma_wait3A_545, %dma_wait3A_546] : memref<10240x128xbf16, #tpu.memory_space<hbm>> -> memref<80x128xbf16, #tpu.memory_space<hbm>>
        tpu.wait_dma2 semaphore(%arg18 : memref<!tpu.dma_semaphore, #tpu.memory_space<semaphore_mem>>) src(%dma_wait3A_547 : memref<80x128xbf16, #tpu.memory_space<hbm>>) dst(%dma_wait3A_544 : memref<80x128xbf16, #tpu.memory_space<vmem>>)
      } else {
      }
      %dma_start3A_461 = arith.constant 6 : i32
      %dma_start3A_462 = arith.constant 0 : i32
      %dma_start3A_463 = arith.constant 0 : i32
      %dma_start3A_464 = tpu.memref_slice %arg9[%dma_start3A_461, %dma_start3A_462, %dma_start3A_463] : memref<8x80x128xbf16, #tpu.memory_space<vmem>> -> memref<1x80x128xbf16, #tpu.memory_space<vmem>>
      %dma_start3A_465 = tpu.memref_squeeze %dma_start3A_464 : memref<1x80x128xbf16, #tpu.memory_space<vmem>> -> memref<80x128xbf16, #tpu.memory_space<vmem>>
      %dma_start3A_466 = arith.constant 0 : i32
      %dma_start3A_467 = tpu.memref_slice %arg8[%add3A_444, %dma_start3A_466] : memref<128x80xi32, #tpu.memory_space<vmem>> -> memref<1x80xi32, #tpu.memory_space<vmem>>
      %dma_start3A_468 = tpu.memref_squeeze %dma_start3A_467 : memref<1x80xi32, #tpu.memory_space<vmem>> -> memref<80xi32, #tpu.memory_space<vmem>>
      %dma_start3A_469 = arith.constant 0 : i32
      %dma_start3A_470 = arith.constant 0 : i32
      %dma_start3A_471 = tpu.memref_slice %arg19[%dma_start3A_469, %dma_start3A_470] : memref<10240x128xbf16, #tpu.memory_space<vmem_shared>> -> memref<10240x128xbf16, #tpu.memory_space<vmem_shared>>
      tpu.enqueue_indirect_dma source(%dma_start3A_465 : memref<80x128xbf16, #tpu.memory_space<vmem>>) target(%dma_start3A_471 : memref<10240x128xbf16, #tpu.memory_space<vmem_shared>>) offsets(%dma_start3A_468 : memref<80xi32, #tpu.memory_space<vmem>>) semaphore(%arg18 : memref<!tpu.dma_semaphore, #tpu.memory_space<semaphore_mem>>) {add = true}
      %add3A_472 = arith.constant 4 : i32
      %add3A_473 = arith.addi %add3A_444, %add3A_472 : i32
      %rem3A_474 = arith.constant 128 : i32
      %rem3A_475 = arith.remsi %add3A_473, %rem3A_474 : i32
      %dma_start3A_476 = arith.constant 2 : i32
      %dma_start3A_477 = arith.constant 0 : i32
      %dma_start3A_478 = arith.constant 0 : i32
      %dma_start3A_479 = tpu.memref_slice %arg9[%dma_start3A_476, %dma_start3A_477, %dma_start3A_478] : memref<8x80x128xbf16, #tpu.memory_space<vmem>> -> memref<1x80x128xbf16, #tpu.memory_space<vmem>>
      %dma_start3A_480 = tpu.memref_squeeze %dma_start3A_479 : memref<1x80x128xbf16, #tpu.memory_space<vmem>> -> memref<80x128xbf16, #tpu.memory_space<vmem>>
      %dma_start3A_481 = arith.constant 0 : i32
      %dma_start3A_482 = tpu.memref_slice %arg7[%rem3A_475, %dma_start3A_481] : memref<128x80xi32, #tpu.memory_space<vmem>> -> memref<1x80xi32, #tpu.memory_space<vmem>>
      %dma_start3A_483 = tpu.memref_squeeze %dma_start3A_482 : memref<1x80xi32, #tpu.memory_space<vmem>> -> memref<80xi32, #tpu.memory_space<vmem>>
      %dma_start3A_484 = arith.constant 0 : i32
      %dma_start3A_485 = arith.constant 0 : i32
      %dma_start3A_486 = tpu.memref_slice %arg2[%dma_start3A_484, %dma_start3A_485] : memref<10240x128xbf16, #tpu.memory_space<hbm>> -> memref<10240x128xbf16, #tpu.memory_space<hbm>>
      tpu.enqueue_indirect_dma source(%dma_start3A_486 : memref<10240x128xbf16, #tpu.memory_space<hbm>>) target(%dma_start3A_480 : memref<80x128xbf16, #tpu.memory_space<vmem>>) offsets(%dma_start3A_483 : memref<80xi32, #tpu.memory_space<vmem>>) semaphore(%arg12 : memref<!tpu.dma_semaphore, #tpu.memory_space<semaphore_mem>>)
      %mul3A_487 = arith.constant 8 : i32
      %mul3A_488 = arith.muli %mul3A_487, %scan3A_168 : i32
      %add3A_489 = arith.constant 7 : i32
      %add3A_490 = arith.addi %mul3A_488, %add3A_489 : i32
      %dma_wait3A_491 = arith.constant 7 : i32
      %dma_wait3A_492 = arith.constant 0 : i32
      %dma_wait3A_493 = arith.constant 0 : i32
      %dma_wait3A_494 = tpu.memref_slice %arg9[%dma_wait3A_491, %dma_wait3A_492, %dma_wait3A_493] : memref<8x80x128xbf16, #tpu.memory_space<vmem>> -> memref<1x80x128xbf16, #tpu.memory_space<vmem>>
      %dma_wait3A_495 = tpu.memref_squeeze %dma_wait3A_494 : memref<1x80x128xbf16, #tpu.memory_space<vmem>> -> memref<80x128xbf16, #tpu.memory_space<vmem>>
      %dma_wait3A_496 = arith.constant 0 : i32
      %dma_wait3A_497 = tpu.memref_slice %arg7[%add3A_490, %dma_wait3A_496] : memref<128x80xi32, #tpu.memory_space<vmem>> -> memref<1x80xi32, #tpu.memory_space<vmem>>
      %dma_wait3A_498 = tpu.memref_squeeze %dma_wait3A_497 : memref<1x80xi32, #tpu.memory_space<vmem>> -> memref<80xi32, #tpu.memory_space<vmem>>
      %dma_wait3A_499 = arith.constant 0 : i32
      %dma_wait3A_500 = arith.constant 0 : i32
      %dma_wait3A_501 = tpu.memref_slice %arg2[%dma_wait3A_499, %dma_wait3A_500] : memref<10240x128xbf16, #tpu.memory_space<hbm>> -> memref<10240x128xbf16, #tpu.memory_space<hbm>>
      tpu.wait_indirect_dma semaphore(%arg17 : memref<!tpu.dma_semaphore, #tpu.memory_space<semaphore_mem>>) src(%dma_wait3A_501 : memref<10240x128xbf16, #tpu.memory_space<hbm>>) dst(%dma_wait3A_495 : memref<80x128xbf16, #tpu.memory_space<vmem>>)
      %ge3A_502 = arith.constant 4 : i32
      %ge3A_503 = arith.cmpi sge, %add3A_490, %ge3A_502 : i32
      %convert_element_type3A_504 = arith.extui %ge3A_503 : i1 to i32
      %cond3A_505 = arith.constant 0 : i32
      %cond3A_506 = arith.cmpi ne, %convert_element_type3A_504, %cond3A_505 : i32
      scf.if %cond3A_506 {
        %dma_wait3A_533 = arith.constant 0 : i32
        %dma_wait3A_534 = arith.constant 0 : i32
        %dma_wait3A_535 = arith.constant 0 : i32
        %dma_wait3A_536 = tpu.memref_slice %arg9[%dma_wait3A_533, %dma_wait3A_534, %dma_wait3A_535] : memref<8x80x128xbf16, #tpu.memory_space<vmem>> -> memref<1x80x128xbf16, #tpu.memory_space<vmem>>
        %dma_wait3A_537 = tpu.memref_squeeze %dma_wait3A_536 : memref<1x80x128xbf16, #tpu.memory_space<vmem>> -> memref<80x128xbf16, #tpu.memory_space<vmem>>
        %dma_wait3A_538 = arith.constant 0 : i32
        %dma_wait3A_539 = arith.constant 0 : i32
        %dma_wait3A_540 = tpu.memref_slice %arg5[%dma_wait3A_538, %dma_wait3A_539] : memref<10240x128xbf16, #tpu.memory_space<hbm>> -> memref<80x128xbf16, #tpu.memory_space<hbm>>
        %dma_wait3A_541 = arith.constant 0 : i32
        %dma_wait3A_542 = arith.constant 0 : i32
        %dma_wait3A_543 = tpu.memref_slice %arg9[%dma_wait3A_533, %dma_wait3A_541, %dma_wait3A_542] : memref<8x80x128xbf16, #tpu.memory_space<vmem>> -> memref<1x80x128xbf16, #tpu.memory_space<vmem>>
        %dma_wait3A_544 = tpu.memref_squeeze %dma_wait3A_543 : memref<1x80x128xbf16, #tpu.memory_space<vmem>> -> memref<80x128xbf16, #tpu.memory_space<vmem>>
        %dma_wait3A_545 = arith.constant 0 : i32
        %dma_wait3A_546 = arith.constant 0 : i32
        %dma_wait3A_547 = tpu.memref_slice %arg5[%dma_wait3A_545, %dma_wait3A_546] : memref<10240x128xbf16, #tpu.memory_space<hbm>> -> memref<80x128xbf16, #tpu.memory_space<hbm>>
        tpu.wait_dma2 semaphore(%arg18 : memref<!tpu.dma_semaphore, #tpu.memory_space<semaphore_mem>>) src(%dma_wait3A_547 : memref<80x128xbf16, #tpu.memory_space<hbm>>) dst(%dma_wait3A_544 : memref<80x128xbf16, #tpu.memory_space<vmem>>)
      } else {
      }
      %dma_start3A_507 = arith.constant 7 : i32
      %dma_start3A_508 = arith.constant 0 : i32
      %dma_start3A_509 = arith.constant 0 : i32
      %dma_start3A_510 = tpu.memref_slice %arg9[%dma_start3A_507, %dma_start3A_508, %dma_start3A_509] : memref<8x80x128xbf16, #tpu.memory_space<vmem>> -> memref<1x80x128xbf16, #tpu.memory_space<vmem>>
      %dma_start3A_511 = tpu.memref_squeeze %dma_start3A_510 : memref<1x80x128xbf16, #tpu.memory_space<vmem>> -> memref<80x128xbf16, #tpu.memory_space<vmem>>
      %dma_start3A_512 = arith.constant 0 : i32
      %dma_start3A_513 = tpu.memref_slice %arg8[%add3A_490, %dma_start3A_512] : memref<128x80xi32, #tpu.memory_space<vmem>> -> memref<1x80xi32, #tpu.memory_space<vmem>>
      %dma_start3A_514 = tpu.memref_squeeze %dma_start3A_513 : memref<1x80xi32, #tpu.memory_space<vmem>> -> memref<80xi32, #tpu.memory_space<vmem>>
      %dma_start3A_515 = arith.constant 0 : i32
      %dma_start3A_516 = arith.constant 0 : i32
      %dma_start3A_517 = tpu.memref_slice %arg19[%dma_start3A_515, %dma_start3A_516] : memref<10240x128xbf16, #tpu.memory_space<vmem_shared>> -> memref<10240x128xbf16, #tpu.memory_space<vmem_shared>>
      tpu.enqueue_indirect_dma source(%dma_start3A_511 : memref<80x128xbf16, #tpu.memory_space<vmem>>) target(%dma_start3A_517 : memref<10240x128xbf16, #tpu.memory_space<vmem_shared>>) offsets(%dma_start3A_514 : memref<80xi32, #tpu.memory_space<vmem>>) semaphore(%arg18 : memref<!tpu.dma_semaphore, #tpu.memory_space<semaphore_mem>>) {add = true}
      %add3A_518 = arith.constant 4 : i32
      %add3A_519 = arith.addi %add3A_490, %add3A_518 : i32
      %rem3A_520 = arith.constant 128 : i32
      %rem3A_521 = arith.remsi %add3A_519, %rem3A_520 : i32
      %dma_start3A_522 = arith.constant 3 : i32
      %dma_start3A_523 = arith.constant 0 : i32
      %dma_start3A_524 = arith.constant 0 : i32
      %dma_start3A_525 = tpu.memref_slice %arg9[%dma_start3A_522, %dma_start3A_523, %dma_start3A_524] : memref<8x80x128xbf16, #tpu.memory_space<vmem>> -> memref<1x80x128xbf16, #tpu.memory_space<vmem>>
      %dma_start3A_526 = tpu.memref_squeeze %dma_start3A_525 : memref<1x80x128xbf16, #tpu.memory_space<vmem>> -> memref<80x128xbf16, #tpu.memory_space<vmem>>
      %dma_start3A_527 = arith.constant 0 : i32
      %dma_start3A_528 = tpu.memref_slice %arg7[%rem3A_521, %dma_start3A_527] : memref<128x80xi32, #tpu.memory_space<vmem>> -> memref<1x80xi32, #tpu.memory_space<vmem>>
      %dma_start3A_529 = tpu.memref_squeeze %dma_start3A_528 : memref<1x80xi32, #tpu.memory_space<vmem>> -> memref<80xi32, #tpu.memory_space<vmem>>
      %dma_start3A_530 = arith.constant 0 : i32
      %dma_start3A_531 = arith.constant 0 : i32
      %dma_start3A_532 = tpu.memref_slice %arg2[%dma_start3A_530, %dma_start3A_531] : memref<10240x128xbf16, #tpu.memory_space<hbm>> -> memref<10240x128xbf16, #tpu.memory_space<hbm>>
      tpu.enqueue_indirect_dma source(%dma_start3A_532 : memref<10240x128xbf16, #tpu.memory_space<hbm>>) target(%dma_start3A_526 : memref<80x128xbf16, #tpu.memory_space<vmem>>) offsets(%dma_start3A_529 : memref<80xi32, #tpu.memory_space<vmem>>) semaphore(%arg13 : memref<!tpu.dma_semaphore, #tpu.memory_space<semaphore_mem>>)
    }
    %scan3A_59 = arith.constant 16 : i32
    %dma_wait3A = arith.constant 0 : i32
    %dma_wait3A_60 = arith.constant 0 : i32
    %dma_wait3A_61 = arith.constant 0 : i32
    %dma_wait3A_62 = tpu.memref_slice %arg9[%dma_wait3A, %dma_wait3A_60, %dma_wait3A_61] : memref<8x80x128xbf16, #tpu.memory_space<vmem>> -> memref<1x80x128xbf16, #tpu.memory_space<vmem>>
    %dma_wait3A_63 = tpu.memref_squeeze %dma_wait3A_62 : memref<1x80x128xbf16, #tpu.memory_space<vmem>> -> memref<80x128xbf16, #tpu.memory_space<vmem>>
    %dma_wait3A_64 = arith.constant 0 : i32
    %dma_wait3A_65 = arith.constant 0 : i32
    %dma_wait3A_66 = tpu.memref_slice %arg5[%dma_wait3A_64, %dma_wait3A_65] : memref<10240x128xbf16, #tpu.memory_space<hbm>> -> memref<80x128xbf16, #tpu.memory_space<hbm>>
    %dma_wait3A_67 = arith.constant 0 : i32
    %dma_wait3A_68 = arith.constant 0 : i32
    %dma_wait3A_69 = tpu.memref_slice %arg9[%dma_wait3A, %dma_wait3A_67, %dma_wait3A_68] : memref<8x80x128xbf16, #tpu.memory_space<vmem>> -> memref<1x80x128xbf16, #tpu.memory_space<vmem>>
    %dma_wait3A_70 = tpu.memref_squeeze %dma_wait3A_69 : memref<1x80x128xbf16, #tpu.memory_space<vmem>> -> memref<80x128xbf16, #tpu.memory_space<vmem>>
    %dma_wait3A_71 = arith.constant 0 : i32
    %dma_wait3A_72 = arith.constant 0 : i32
    %dma_wait3A_73 = tpu.memref_slice %arg5[%dma_wait3A_71, %dma_wait3A_72] : memref<10240x128xbf16, #tpu.memory_space<hbm>> -> memref<80x128xbf16, #tpu.memory_space<hbm>>
    tpu.wait_dma2 semaphore(%arg18 : memref<!tpu.dma_semaphore, #tpu.memory_space<semaphore_mem>>) src(%dma_wait3A_73 : memref<80x128xbf16, #tpu.memory_space<hbm>>) dst(%dma_wait3A_70 : memref<80x128xbf16, #tpu.memory_space<vmem>>)
    %dma_wait3A_74 = arith.constant 0 : i32
    %dma_wait3A_75 = arith.constant 0 : i32
    %dma_wait3A_76 = arith.constant 0 : i32
    %dma_wait3A_77 = tpu.memref_slice %arg9[%dma_wait3A_74, %dma_wait3A_75, %dma_wait3A_76] : memref<8x80x128xbf16, #tpu.memory_space<vmem>> -> memref<1x80x128xbf16, #tpu.memory_space<vmem>>
    %dma_wait3A_78 = tpu.memref_squeeze %dma_wait3A_77 : memref<1x80x128xbf16, #tpu.memory_space<vmem>> -> memref<80x128xbf16, #tpu.memory_space<vmem>>
    %dma_wait3A_79 = arith.constant 0 : i32
    %dma_wait3A_80 = arith.constant 0 : i32
    %dma_wait3A_81 = tpu.memref_slice %arg5[%dma_wait3A_79, %dma_wait3A_80] : memref<10240x128xbf16, #tpu.memory_space<hbm>> -> memref<80x128xbf16, #tpu.memory_space<hbm>>
    %dma_wait3A_82 = arith.constant 0 : i32
    %dma_wait3A_83 = arith.constant 0 : i32
    %dma_wait3A_84 = tpu.memref_slice %arg9[%dma_wait3A_74, %dma_wait3A_82, %dma_wait3A_83] : memref<8x80x128xbf16, #tpu.memory_space<vmem>> -> memref<1x80x128xbf16, #tpu.memory_space<vmem>>
    %dma_wait3A_85 = tpu.memref_squeeze %dma_wait3A_84 : memref<1x80x128xbf16, #tpu.memory_space<vmem>> -> memref<80x128xbf16, #tpu.memory_space<vmem>>
    %dma_wait3A_86 = arith.constant 0 : i32
    %dma_wait3A_87 = arith.constant 0 : i32
    %dma_wait3A_88 = tpu.memref_slice %arg5[%dma_wait3A_86, %dma_wait3A_87] : memref<10240x128xbf16, #tpu.memory_space<hbm>> -> memref<80x128xbf16, #tpu.memory_space<hbm>>
    tpu.wait_dma2 semaphore(%arg18 : memref<!tpu.dma_semaphore, #tpu.memory_space<semaphore_mem>>) src(%dma_wait3A_88 : memref<80x128xbf16, #tpu.memory_space<hbm>>) dst(%dma_wait3A_85 : memref<80x128xbf16, #tpu.memory_space<vmem>>)
    %dma_wait3A_89 = arith.constant 0 : i32
    %dma_wait3A_90 = arith.constant 0 : i32
    %dma_wait3A_91 = arith.constant 0 : i32
    %dma_wait3A_92 = tpu.memref_slice %arg9[%dma_wait3A_89, %dma_wait3A_90, %dma_wait3A_91] : memref<8x80x128xbf16, #tpu.memory_space<vmem>> -> memref<1x80x128xbf16, #tpu.memory_space<vmem>>
    %dma_wait3A_93 = tpu.memref_squeeze %dma_wait3A_92 : memref<1x80x128xbf16, #tpu.memory_space<vmem>> -> memref<80x128xbf16, #tpu.memory_space<vmem>>
    %dma_wait3A_94 = arith.constant 0 : i32
    %dma_wait3A_95 = arith.constant 0 : i32
    %dma_wait3A_96 = tpu.memref_slice %arg5[%dma_wait3A_94, %dma_wait3A_95] : memref<10240x128xbf16, #tpu.memory_space<hbm>> -> memref<80x128xbf16, #tpu.memory_space<hbm>>
    %dma_wait3A_97 = arith.constant 0 : i32
    %dma_wait3A_98 = arith.constant 0 : i32
    %dma_wait3A_99 = tpu.memref_slice %arg9[%dma_wait3A_89, %dma_wait3A_97, %dma_wait3A_98] : memref<8x80x128xbf16, #tpu.memory_space<vmem>> -> memref<1x80x128xbf16, #tpu.memory_space<vmem>>
    %dma_wait3A_100 = tpu.memref_squeeze %dma_wait3A_99 : memref<1x80x128xbf16, #tpu.memory_space<vmem>> -> memref<80x128xbf16, #tpu.memory_space<vmem>>
    %dma_wait3A_101 = arith.constant 0 : i32
    %dma_wait3A_102 = arith.constant 0 : i32
    %dma_wait3A_103 = tpu.memref_slice %arg5[%dma_wait3A_101, %dma_wait3A_102] : memref<10240x128xbf16, #tpu.memory_space<hbm>> -> memref<80x128xbf16, #tpu.memory_space<hbm>>
    tpu.wait_dma2 semaphore(%arg18 : memref<!tpu.dma_semaphore, #tpu.memory_space<semaphore_mem>>) src(%dma_wait3A_103 : memref<80x128xbf16, #tpu.memory_space<hbm>>) dst(%dma_wait3A_100 : memref<80x128xbf16, #tpu.memory_space<vmem>>)
    %dma_wait3A_104 = arith.constant 0 : i32
    %dma_wait3A_105 = arith.constant 0 : i32
    %dma_wait3A_106 = arith.constant 0 : i32
    %dma_wait3A_107 = tpu.memref_slice %arg9[%dma_wait3A_104, %dma_wait3A_105, %dma_wait3A_106] : memref<8x80x128xbf16, #tpu.memory_space<vmem>> -> memref<1x80x128xbf16, #tpu.memory_space<vmem>>
    %dma_wait3A_108 = tpu.memref_squeeze %dma_wait3A_107 : memref<1x80x128xbf16, #tpu.memory_space<vmem>> -> memref<80x128xbf16, #tpu.memory_space<vmem>>
    %dma_wait3A_109 = arith.constant 0 : i32
    %dma_wait3A_110 = arith.constant 0 : i32
    %dma_wait3A_111 = tpu.memref_slice %arg5[%dma_wait3A_109, %dma_wait3A_110] : memref<10240x128xbf16, #tpu.memory_space<hbm>> -> memref<80x128xbf16, #tpu.memory_space<hbm>>
    %dma_wait3A_112 = arith.constant 0 : i32
    %dma_wait3A_113 = arith.constant 0 : i32
    %dma_wait3A_114 = tpu.memref_slice %arg9[%dma_wait3A_104, %dma_wait3A_112, %dma_wait3A_113] : memref<8x80x128xbf16, #tpu.memory_space<vmem>> -> memref<1x80x128xbf16, #tpu.memory_space<vmem>>
    %dma_wait3A_115 = tpu.memref_squeeze %dma_wait3A_114 : memref<1x80x128xbf16, #tpu.memory_space<vmem>> -> memref<80x128xbf16, #tpu.memory_space<vmem>>
    %dma_wait3A_116 = arith.constant 0 : i32
    %dma_wait3A_117 = arith.constant 0 : i32
    %dma_wait3A_118 = tpu.memref_slice %arg5[%dma_wait3A_116, %dma_wait3A_117] : memref<10240x128xbf16, #tpu.memory_space<hbm>> -> memref<80x128xbf16, #tpu.memory_space<hbm>>
    tpu.wait_dma2 semaphore(%arg18 : memref<!tpu.dma_semaphore, #tpu.memory_space<semaphore_mem>>) src(%dma_wait3A_118 : memref<80x128xbf16, #tpu.memory_space<hbm>>) dst(%dma_wait3A_115 : memref<80x128xbf16, #tpu.memory_space<vmem>>)
    %dma_wait3A_119 = arith.constant 0 : i32
    %dma_wait3A_120 = arith.constant 0 : i32
    %dma_wait3A_121 = arith.constant 0 : i32
    %dma_wait3A_122 = arith.constant 0 : i32
    %dma_wait3A_123 = tpu.memref_slice %arg9[%dma_wait3A_120, %dma_wait3A_121, %dma_wait3A_122] : memref<8x80x128xbf16, #tpu.memory_space<vmem>> -> memref<1x80x128xbf16, #tpu.memory_space<vmem>>
    %dma_wait3A_124 = tpu.memref_squeeze %dma_wait3A_123 : memref<1x80x128xbf16, #tpu.memory_space<vmem>> -> memref<80x128xbf16, #tpu.memory_space<vmem>>
    %dma_wait3A_125 = arith.constant 0 : i32
    %dma_wait3A_126 = tpu.memref_slice %arg7[%dma_wait3A_119, %dma_wait3A_125] : memref<128x80xi32, #tpu.memory_space<vmem>> -> memref<1x80xi32, #tpu.memory_space<vmem>>
    %dma_wait3A_127 = tpu.memref_squeeze %dma_wait3A_126 : memref<1x80xi32, #tpu.memory_space<vmem>> -> memref<80xi32, #tpu.memory_space<vmem>>
    %dma_wait3A_128 = arith.constant 0 : i32
    %dma_wait3A_129 = arith.constant 0 : i32
    %dma_wait3A_130 = tpu.memref_slice %arg2[%dma_wait3A_128, %dma_wait3A_129] : memref<10240x128xbf16, #tpu.memory_space<hbm>> -> memref<10240x128xbf16, #tpu.memory_space<hbm>>
    tpu.wait_indirect_dma semaphore(%arg10 : memref<!tpu.dma_semaphore, #tpu.memory_space<semaphore_mem>>) src(%dma_wait3A_130 : memref<10240x128xbf16, #tpu.memory_space<hbm>>) dst(%dma_wait3A_124 : memref<80x128xbf16, #tpu.memory_space<vmem>>)
    %dma_wait3A_131 = arith.constant 1 : i32
    %dma_wait3A_132 = arith.constant 1 : i32
    %dma_wait3A_133 = arith.constant 0 : i32
    %dma_wait3A_134 = arith.constant 0 : i32
    %dma_wait3A_135 = tpu.memref_slice %arg9[%dma_wait3A_132, %dma_wait3A_133, %dma_wait3A_134] : memref<8x80x128xbf16, #tpu.memory_space<vmem>> -> memref<1x80x128xbf16, #tpu.memory_space<vmem>>
    %dma_wait3A_136 = tpu.memref_squeeze %dma_wait3A_135 : memref<1x80x128xbf16, #tpu.memory_space<vmem>> -> memref<80x128xbf16, #tpu.memory_space<vmem>>
    %dma_wait3A_137 = arith.constant 0 : i32
    %dma_wait3A_138 = tpu.memref_slice %arg7[%dma_wait3A_131, %dma_wait3A_137] : memref<128x80xi32, #tpu.memory_space<vmem>> -> memref<1x80xi32, #tpu.memory_space<vmem>>
    %dma_wait3A_139 = tpu.memref_squeeze %dma_wait3A_138 : memref<1x80xi32, #tpu.memory_space<vmem>> -> memref<80xi32, #tpu.memory_space<vmem>>
    %dma_wait3A_140 = arith.constant 0 : i32
    %dma_wait3A_141 = arith.constant 0 : i32
    %dma_wait3A_142 = tpu.memref_slice %arg2[%dma_wait3A_140, %dma_wait3A_141] : memref<10240x128xbf16, #tpu.memory_space<hbm>> -> memref<10240x128xbf16, #tpu.memory_space<hbm>>
    tpu.wait_indirect_dma semaphore(%arg11 : memref<!tpu.dma_semaphore, #tpu.memory_space<semaphore_mem>>) src(%dma_wait3A_142 : memref<10240x128xbf16, #tpu.memory_space<hbm>>) dst(%dma_wait3A_136 : memref<80x128xbf16, #tpu.memory_space<vmem>>)
    %dma_wait3A_143 = arith.constant 2 : i32
    %dma_wait3A_144 = arith.constant 2 : i32
    %dma_wait3A_145 = arith.constant 0 : i32
    %dma_wait3A_146 = arith.constant 0 : i32
    %dma_wait3A_147 = tpu.memref_slice %arg9[%dma_wait3A_144, %dma_wait3A_145, %dma_wait3A_146] : memref<8x80x128xbf16, #tpu.memory_space<vmem>> -> memref<1x80x128xbf16, #tpu.memory_space<vmem>>
    %dma_wait3A_148 = tpu.memref_squeeze %dma_wait3A_147 : memref<1x80x128xbf16, #tpu.memory_space<vmem>> -> memref<80x128xbf16, #tpu.memory_space<vmem>>
    %dma_wait3A_149 = arith.constant 0 : i32
    %dma_wait3A_150 = tpu.memref_slice %arg7[%dma_wait3A_143, %dma_wait3A_149] : memref<128x80xi32, #tpu.memory_space<vmem>> -> memref<1x80xi32, #tpu.memory_space<vmem>>
    %dma_wait3A_151 = tpu.memref_squeeze %dma_wait3A_150 : memref<1x80xi32, #tpu.memory_space<vmem>> -> memref<80xi32, #tpu.memory_space<vmem>>
    %dma_wait3A_152 = arith.constant 0 : i32
    %dma_wait3A_153 = arith.constant 0 : i32
    %dma_wait3A_154 = tpu.memref_slice %arg2[%dma_wait3A_152, %dma_wait3A_153] : memref<10240x128xbf16, #tpu.memory_space<hbm>> -> memref<10240x128xbf16, #tpu.memory_space<hbm>>
    tpu.wait_indirect_dma semaphore(%arg12 : memref<!tpu.dma_semaphore, #tpu.memory_space<semaphore_mem>>) src(%dma_wait3A_154 : memref<10240x128xbf16, #tpu.memory_space<hbm>>) dst(%dma_wait3A_148 : memref<80x128xbf16, #tpu.memory_space<vmem>>)
    %dma_wait3A_155 = arith.constant 3 : i32
    %dma_wait3A_156 = arith.constant 3 : i32
    %dma_wait3A_157 = arith.constant 0 : i32
    %dma_wait3A_158 = arith.constant 0 : i32
    %dma_wait3A_159 = tpu.memref_slice %arg9[%dma_wait3A_156, %dma_wait3A_157, %dma_wait3A_158] : memref<8x80x128xbf16, #tpu.memory_space<vmem>> -> memref<1x80x128xbf16, #tpu.memory_space<vmem>>
    %dma_wait3A_160 = tpu.memref_squeeze %dma_wait3A_159 : memref<1x80x128xbf16, #tpu.memory_space<vmem>> -> memref<80x128xbf16, #tpu.memory_space<vmem>>
    %dma_wait3A_161 = arith.constant 0 : i32
    %dma_wait3A_162 = tpu.memref_slice %arg7[%dma_wait3A_155, %dma_wait3A_161] : memref<128x80xi32, #tpu.memory_space<vmem>> -> memref<1x80xi32, #tpu.memory_space<vmem>>
    %dma_wait3A_163 = tpu.memref_squeeze %dma_wait3A_162 : memref<1x80xi32, #tpu.memory_space<vmem>> -> memref<80xi32, #tpu.memory_space<vmem>>
    %dma_wait3A_164 = arith.constant 0 : i32
    %dma_wait3A_165 = arith.constant 0 : i32
    %dma_wait3A_166 = tpu.memref_slice %arg2[%dma_wait3A_164, %dma_wait3A_165] : memref<10240x128xbf16, #tpu.memory_space<hbm>> -> memref<10240x128xbf16, #tpu.memory_space<hbm>>
    tpu.wait_indirect_dma semaphore(%arg13 : memref<!tpu.dma_semaphore, #tpu.memory_space<semaphore_mem>>) src(%dma_wait3A_166 : memref<10240x128xbf16, #tpu.memory_space<hbm>>) dst(%dma_wait3A_160 : memref<80x128xbf16, #tpu.memory_space<vmem>>)
    %barrier3A_167 = arith.constant 0 : index
    tpu.barrier barrier_id(%barrier3A_167)
    "tpu.region"() ({
      %run_scoped3A_168 = tpu.sem_alloc : memref<!tpu.dma_semaphore, #tpu.memory_space<semaphore_mem>>
      %dma_start3A_169 = arith.constant 0 : i32
      %dma_start3A_170 = tpu.memref_slice %arg6[%arg0, %mul3A_2, %dma_start3A_169] : memref<2x10240x128xbf16, #tpu.memory_space<hbm>> -> memref<1x640x128xbf16, #tpu.memory_space<hbm>>
      %dma_start3A_171 = tpu.memref_squeeze %dma_start3A_170 : memref<1x640x128xbf16, #tpu.memory_space<hbm>> -> memref<640x128xbf16, #tpu.memory_space<hbm>>
      %dma_start3A_172 = arith.constant 0 : i32
      %dma_start3A_173 = tpu.memref_slice %arg19[%mul3A_2, %dma_start3A_172] : memref<10240x128xbf16, #tpu.memory_space<vmem_shared>> -> memref<640x128xbf16, #tpu.memory_space<vmem_shared>>
      tpu.enqueue_dma source(%dma_start3A_173 : memref<640x128xbf16, #tpu.memory_space<vmem_shared>>) target(%dma_start3A_171 : memref<640x128xbf16, #tpu.memory_space<hbm>>) target_semaphore(%run_scoped3A_168 : memref<!tpu.dma_semaphore, #tpu.memory_space<semaphore_mem>>)
      %dma_wait3A_174 = arith.constant 0 : i32
      %dma_wait3A_175 = tpu.memref_slice %arg6[%arg0, %mul3A_2, %dma_wait3A_174] : memref<2x10240x128xbf16, #tpu.memory_space<hbm>> -> memref<1x640x128xbf16, #tpu.memory_space<hbm>>
      %dma_wait3A_176 = tpu.memref_squeeze %dma_wait3A_175 : memref<1x640x128xbf16, #tpu.memory_space<hbm>> -> memref<640x128xbf16, #tpu.memory_space<hbm>>
      %dma_wait3A_177 = arith.constant 0 : i32
      %dma_wait3A_178 = tpu.memref_slice %arg19[%mul3A_2, %dma_wait3A_177] : memref<10240x128xbf16, #tpu.memory_space<vmem_shared>> -> memref<640x128xbf16, #tpu.memory_space<vmem_shared>>
      tpu.wait_dma2 semaphore(%run_scoped3A_168 : memref<!tpu.dma_semaphore, #tpu.memory_space<semaphore_mem>>) src(%dma_wait3A_178 : memref<640x128xbf16, #tpu.memory_space<vmem_shared>>) dst(%dma_wait3A_176 : memref<640x128xbf16, #tpu.memory_space<hbm>>)
      tpu.yield
    }) : () -> ()
    return
  }
}

#map = affine_map<(d0, d1) -> (0, 0, 0)>
#map1 = affine_map<(d0, d1) -> (0, 0)>
module attributes {stable_mosaic.version = 14 : i64} {
  func.func @_deg_body(%arg0: i32, %arg1: i32, %arg2: memref<2x4000x80xi32, #tpu.memory_space<hbm>>, %arg3: memref<96x80xi32, #tpu.memory_space<hbm>>, %arg4: memref<2x10240xf32, #tpu.memory_space<hbm>>, %arg5: memref<128x80xi32, #tpu.memory_space<vmem>>, %arg6: memref<80xf32, #tpu.memory_space<vmem>>, %arg7: memref<640xf32, #tpu.memory_space<vmem>>, %arg8: memref<!tpu.dma_semaphore, #tpu.memory_space<semaphore_mem>>, %arg9: memref<10240xf32, #tpu.memory_space<vmem_shared>>) attributes {dimension_semantics = [#tpu.dimension_semantics<core_parallel>, #tpu.dimension_semantics<subcore_parallel>], iteration_bounds = array<i64: 2, 16>, scalar_prefetch = 0 : i64, scratch_operands = 5 : i64, tpu.core_type = #tpu.core_type<sc_vector_subcore>, window_params = [{transform_indices = #map}, {transform_indices = #map1}, {transform_indices = #map1}]} {
    %mul3A = arith.constant 16 : i32
    %mul3A_0 = arith.muli %arg0, %mul3A : i32
    %add3A = arith.addi %mul3A_0, %arg1 : i32
    %broadcast_in_dim3A = arith.constant 1.000000e+00 : f32
    %broadcast_in_dim3A_1 = vector.broadcast %broadcast_in_dim3A : f32 to vector<16xf32>
    %swap3A = arith.constant 0 : index
    %swap3A_2 = tpu.vector_load %arg6[%swap3A] {strides = array<i32>} : memref<80xf32, #tpu.memory_space<vmem>>, vector<16xf32>,
    %swap3A_3 = vector.shape_cast %swap3A_2 : vector<16xf32> to vector<16xf32>
    %swap3A_4 = vector.shape_cast %broadcast_in_dim3A_1 : vector<16xf32> to vector<16xf32>
    tpu.vector_store %arg6[%swap3A], %swap3A_4 {strides = array<i32>} : memref<80xf32, #tpu.memory_space<vmem>>, vector<16xf32>,
    %broadcast_in_dim3A_5 = arith.constant 1.000000e+00 : f32
    %broadcast_in_dim3A_6 = vector.broadcast %broadcast_in_dim3A_5 : f32 to vector<16xf32>
    %swap3A_7 = arith.constant 16 : index
    %swap3A_8 = tpu.vector_load %arg6[%swap3A_7] {strides = array<i32>} : memref<80xf32, #tpu.memory_space<vmem>>, vector<16xf32>,
    %swap3A_9 = vector.shape_cast %swap3A_8 : vector<16xf32> to vector<16xf32>
    %swap3A_10 = vector.shape_cast %broadcast_in_dim3A_6 : vector<16xf32> to vector<16xf32>
    tpu.vector_store %arg6[%swap3A_7], %swap3A_10 {strides = array<i32>} : memref<80xf32, #tpu.memory_space<vmem>>, vector<16xf32>,
    %broadcast_in_dim3A_11 = arith.constant 1.000000e+00 : f32
    %broadcast_in_dim3A_12 = vector.broadcast %broadcast_in_dim3A_11 : f32 to vector<16xf32>
    %swap3A_13 = arith.constant 32 : index
    %swap3A_14 = tpu.vector_load %arg6[%swap3A_13] {strides = array<i32>} : memref<80xf32, #tpu.memory_space<vmem>>, vector<16xf32>,
    %swap3A_15 = vector.shape_cast %swap3A_14 : vector<16xf32> to vector<16xf32>
    %swap3A_16 = vector.shape_cast %broadcast_in_dim3A_12 : vector<16xf32> to vector<16xf32>
    tpu.vector_store %arg6[%swap3A_13], %swap3A_16 {strides = array<i32>} : memref<80xf32, #tpu.memory_space<vmem>>, vector<16xf32>,
    %broadcast_in_dim3A_17 = arith.constant 1.000000e+00 : f32
    %broadcast_in_dim3A_18 = vector.broadcast %broadcast_in_dim3A_17 : f32 to vector<16xf32>
    %swap3A_19 = arith.constant 48 : index
    %swap3A_20 = tpu.vector_load %arg6[%swap3A_19] {strides = array<i32>} : memref<80xf32, #tpu.memory_space<vmem>>, vector<16xf32>,
    %swap3A_21 = vector.shape_cast %swap3A_20 : vector<16xf32> to vector<16xf32>
    %swap3A_22 = vector.shape_cast %broadcast_in_dim3A_18 : vector<16xf32> to vector<16xf32>
    tpu.vector_store %arg6[%swap3A_19], %swap3A_22 {strides = array<i32>} : memref<80xf32, #tpu.memory_space<vmem>>, vector<16xf32>,
    %broadcast_in_dim3A_23 = arith.constant 1.000000e+00 : f32
    %broadcast_in_dim3A_24 = vector.broadcast %broadcast_in_dim3A_23 : f32 to vector<16xf32>
    %swap3A_25 = arith.constant 64 : index
    %swap3A_26 = tpu.vector_load %arg6[%swap3A_25] {strides = array<i32>} : memref<80xf32, #tpu.memory_space<vmem>>, vector<16xf32>,
    %swap3A_27 = vector.shape_cast %swap3A_26 : vector<16xf32> to vector<16xf32>
    %swap3A_28 = vector.shape_cast %broadcast_in_dim3A_24 : vector<16xf32> to vector<16xf32>
    tpu.vector_store %arg6[%swap3A_25], %swap3A_28 {strides = array<i32>} : memref<80xf32, #tpu.memory_space<vmem>>, vector<16xf32>,
    %scan3A = arith.constant 0 : i32
    %scan3A_29 = arith.constant 0 : i32
    %scan3A_30 = arith.constant 40 : i32
    %scan3A_31 = arith.addi %scan3A_29, %scan3A_30 : i32
    %scan3A_32 = arith.constant 1 : i32
    scf.for %scan3A_104 = %scan3A_29 to %scan3A_31 step %scan3A_32  : i32 {
      %broadcast_in_dim3A_105 = arith.constant 0.000000e+00 : f32
      %broadcast_in_dim3A_106 = vector.broadcast %broadcast_in_dim3A_105 : f32 to vector<16xf32>
      %mul3A_107 = arith.constant 16 : i32
      %mul3A_108 = arith.muli %scan3A_104, %mul3A_107 : i32
      %swap3A_109 = arith.index_cast %mul3A_108 : i32 to index
      %swap3A_110 = tpu.vector_load %arg7[%swap3A_109] {strides = array<i32>} : memref<640xf32, #tpu.memory_space<vmem>>, vector<16xf32>,
      %swap3A_111 = vector.shape_cast %swap3A_110 : vector<16xf32> to vector<16xf32>
      %swap3A_112 = vector.shape_cast %broadcast_in_dim3A_106 : vector<16xf32> to vector<16xf32>
      tpu.vector_store %arg7[%swap3A_109], %swap3A_112 {strides = array<i32>} : memref<640xf32, #tpu.memory_space<vmem>>, vector<16xf32>,
    }
    %scan3A_33 = arith.constant 40 : i32
    %mul3A_34 = arith.constant 640 : i32
    %mul3A_35 = arith.muli %arg1, %mul3A_34 : i32
    "tpu.region"() ({
      %run_scoped3A_104 = tpu.sem_alloc : memref<!tpu.dma_semaphore, #tpu.memory_space<semaphore_mem>>
      %dma_start3A = tpu.memref_slice %arg9[%mul3A_35] : memref<10240xf32, #tpu.memory_space<vmem_shared>> -> memref<640xf32, #tpu.memory_space<vmem_shared>>
      %dma_start3A_105 = tpu.memref_slice %arg9[%mul3A_35] : memref<10240xf32, #tpu.memory_space<vmem_shared>> -> memref<640xf32, #tpu.memory_space<vmem_shared>>
      tpu.enqueue_dma source(%arg7 : memref<640xf32, #tpu.memory_space<vmem>>) target(%dma_start3A_105 : memref<640xf32, #tpu.memory_space<vmem_shared>>) target_semaphore(%run_scoped3A_104 : memref<!tpu.dma_semaphore, #tpu.memory_space<semaphore_mem>>)
      %dma_wait3A_106 = tpu.memref_slice %arg9[%mul3A_35] : memref<10240xf32, #tpu.memory_space<vmem_shared>> -> memref<640xf32, #tpu.memory_space<vmem_shared>>
      %dma_wait3A_107 = tpu.memref_slice %arg9[%mul3A_35] : memref<10240xf32, #tpu.memory_space<vmem_shared>> -> memref<640xf32, #tpu.memory_space<vmem_shared>>
      tpu.wait_dma2 semaphore(%run_scoped3A_104 : memref<!tpu.dma_semaphore, #tpu.memory_space<semaphore_mem>>) src(%arg7 : memref<640xf32, #tpu.memory_space<vmem>>) dst(%dma_wait3A_107 : memref<640xf32, #tpu.memory_space<vmem_shared>>)
      tpu.yield
    }) : () -> ()
    %mul3A_36 = arith.constant 125 : i32
    %mul3A_37 = arith.muli %add3A, %mul3A_36 : i32
    %run_scoped3A = arith.constant 1 : i32
    "tpu.region"() ({
      %run_scoped3A_104 = tpu.sem_alloc : memref<!tpu.dma_semaphore, #tpu.memory_space<semaphore_mem>>
      %dma_start3A = arith.constant 0 : i32
      %dma_start3A_105 = arith.constant 0 : i32
      %dma_start3A_106 = tpu.memref_slice %arg5[%dma_start3A, %dma_start3A_105] : memref<128x80xi32, #tpu.memory_space<vmem>> -> memref<125x80xi32, #tpu.memory_space<vmem>>
      %dma_start3A_107 = arith.constant 0 : i32
      %dma_start3A_108 = tpu.memref_slice %arg2[%run_scoped3A, %mul3A_37, %dma_start3A_107] : memref<2x4000x80xi32, #tpu.memory_space<hbm>> -> memref<1x125x80xi32, #tpu.memory_space<hbm>>
      %dma_start3A_109 = tpu.memref_squeeze %dma_start3A_108 : memref<1x125x80xi32, #tpu.memory_space<hbm>> -> memref<125x80xi32, #tpu.memory_space<hbm>>
      %dma_start3A_110 = arith.constant 0 : i32
      %dma_start3A_111 = arith.constant 0 : i32
      %dma_start3A_112 = tpu.memref_slice %arg5[%dma_start3A_110, %dma_start3A_111] : memref<128x80xi32, #tpu.memory_space<vmem>> -> memref<125x80xi32, #tpu.memory_space<vmem>>
      %dma_start3A_113 = arith.constant 0 : i32
      %dma_start3A_114 = tpu.memref_slice %arg2[%run_scoped3A, %mul3A_37, %dma_start3A_113] : memref<2x4000x80xi32, #tpu.memory_space<hbm>> -> memref<1x125x80xi32, #tpu.memory_space<hbm>>
      %dma_start3A_115 = tpu.memref_squeeze %dma_start3A_114 : memref<1x125x80xi32, #tpu.memory_space<hbm>> -> memref<125x80xi32, #tpu.memory_space<hbm>>
      tpu.enqueue_dma source(%dma_start3A_115 : memref<125x80xi32, #tpu.memory_space<hbm>>) target(%dma_start3A_112 : memref<125x80xi32, #tpu.memory_space<vmem>>) target_semaphore(%run_scoped3A_104 : memref<!tpu.dma_semaphore, #tpu.memory_space<semaphore_mem>>)
      %dma_wait3A_116 = arith.constant 0 : i32
      %dma_wait3A_117 = arith.constant 0 : i32
      %dma_wait3A_118 = tpu.memref_slice %arg5[%dma_wait3A_116, %dma_wait3A_117] : memref<128x80xi32, #tpu.memory_space<vmem>> -> memref<125x80xi32, #tpu.memory_space<vmem>>
      %dma_wait3A_119 = arith.constant 0 : i32
      %dma_wait3A_120 = tpu.memref_slice %arg2[%run_scoped3A, %mul3A_37, %dma_wait3A_119] : memref<2x4000x80xi32, #tpu.memory_space<hbm>> -> memref<1x125x80xi32, #tpu.memory_space<hbm>>
      %dma_wait3A_121 = tpu.memref_squeeze %dma_wait3A_120 : memref<1x125x80xi32, #tpu.memory_space<hbm>> -> memref<125x80xi32, #tpu.memory_space<hbm>>
      %dma_wait3A_122 = arith.constant 0 : i32
      %dma_wait3A_123 = arith.constant 0 : i32
      %dma_wait3A_124 = tpu.memref_slice %arg5[%dma_wait3A_122, %dma_wait3A_123] : memref<128x80xi32, #tpu.memory_space<vmem>> -> memref<125x80xi32, #tpu.memory_space<vmem>>
      %dma_wait3A_125 = arith.constant 0 : i32
      %dma_wait3A_126 = tpu.memref_slice %arg2[%run_scoped3A, %mul3A_37, %dma_wait3A_125] : memref<2x4000x80xi32, #tpu.memory_space<hbm>> -> memref<1x125x80xi32, #tpu.memory_space<hbm>>
      %dma_wait3A_127 = tpu.memref_squeeze %dma_wait3A_126 : memref<1x125x80xi32, #tpu.memory_space<hbm>> -> memref<125x80xi32, #tpu.memory_space<hbm>>
      tpu.wait_dma2 semaphore(%run_scoped3A_104 : memref<!tpu.dma_semaphore, #tpu.memory_space<semaphore_mem>>) src(%dma_wait3A_127 : memref<125x80xi32, #tpu.memory_space<hbm>>) dst(%dma_wait3A_124 : memref<125x80xi32, #tpu.memory_space<vmem>>)
      tpu.yield
    }) : () -> ()
    %mul3A_38 = arith.constant 3 : i32
    %mul3A_39 = arith.muli %add3A, %mul3A_38 : i32
    "tpu.region"() ({
      %run_scoped3A_104 = tpu.sem_alloc : memref<!tpu.dma_semaphore, #tpu.memory_space<semaphore_mem>>
      %dma_start3A = arith.constant 125 : i32
      %dma_start3A_105 = arith.constant 0 : i32
      %dma_start3A_106 = tpu.memref_slice %arg5[%dma_start3A, %dma_start3A_105] : memref<128x80xi32, #tpu.memory_space<vmem>> -> memref<3x80xi32, #tpu.memory_space<vmem>>
      %dma_start3A_107 = arith.constant 0 : i32
      %dma_start3A_108 = tpu.memref_slice %arg3[%mul3A_39, %dma_start3A_107] : memref<96x80xi32, #tpu.memory_space<hbm>> -> memref<3x80xi32, #tpu.memory_space<hbm>>
      %dma_start3A_109 = arith.constant 125 : i32
      %dma_start3A_110 = arith.constant 0 : i32
      %dma_start3A_111 = tpu.memref_slice %arg5[%dma_start3A_109, %dma_start3A_110] : memref<128x80xi32, #tpu.memory_space<vmem>> -> memref<3x80xi32, #tpu.memory_space<vmem>>
      %dma_start3A_112 = arith.constant 0 : i32
      %dma_start3A_113 = tpu.memref_slice %arg3[%mul3A_39, %dma_start3A_112] : memref<96x80xi32, #tpu.memory_space<hbm>> -> memref<3x80xi32, #tpu.memory_space<hbm>>
      tpu.enqueue_dma source(%dma_start3A_113 : memref<3x80xi32, #tpu.memory_space<hbm>>) target(%dma_start3A_111 : memref<3x80xi32, #tpu.memory_space<vmem>>) target_semaphore(%run_scoped3A_104 : memref<!tpu.dma_semaphore, #tpu.memory_space<semaphore_mem>>)
      %dma_wait3A_114 = arith.constant 125 : i32
      %dma_wait3A_115 = arith.constant 0 : i32
      %dma_wait3A_116 = tpu.memref_slice %arg5[%dma_wait3A_114, %dma_wait3A_115] : memref<128x80xi32, #tpu.memory_space<vmem>> -> memref<3x80xi32, #tpu.memory_space<vmem>>
      %dma_wait3A_117 = arith.constant 0 : i32
      %dma_wait3A_118 = tpu.memref_slice %arg3[%mul3A_39, %dma_wait3A_117] : memref<96x80xi32, #tpu.memory_space<hbm>> -> memref<3x80xi32, #tpu.memory_space<hbm>>
      %dma_wait3A_119 = arith.constant 125 : i32
      %dma_wait3A_120 = arith.constant 0 : i32
      %dma_wait3A_121 = tpu.memref_slice %arg5[%dma_wait3A_119, %dma_wait3A_120] : memref<128x80xi32, #tpu.memory_space<vmem>> -> memref<3x80xi32, #tpu.memory_space<vmem>>
      %dma_wait3A_122 = arith.constant 0 : i32
      %dma_wait3A_123 = tpu.memref_slice %arg3[%mul3A_39, %dma_wait3A_122] : memref<96x80xi32, #tpu.memory_space<hbm>> -> memref<3x80xi32, #tpu.memory_space<hbm>>
      tpu.wait_dma2 semaphore(%run_scoped3A_104 : memref<!tpu.dma_semaphore, #tpu.memory_space<semaphore_mem>>) src(%dma_wait3A_123 : memref<3x80xi32, #tpu.memory_space<hbm>>) dst(%dma_wait3A_121 : memref<3x80xi32, #tpu.memory_space<vmem>>)
      tpu.yield
    }) : () -> ()
    %barrier3A = arith.constant 0 : index
    tpu.barrier barrier_id(%barrier3A)
    %scan3A_40 = arith.constant 0 : i32
    %scan3A_41 = arith.constant 0 : i32
    %scan3A_42 = arith.constant 128 : i32
    %scan3A_43 = arith.addi %scan3A_41, %scan3A_42 : i32
    %scan3A_44 = arith.constant 1 : i32
    scf.for %scan3A_104 = %scan3A_41 to %scan3A_43 step %scan3A_44  : i32 {
      %dma_start3A = arith.constant 0 : i32
      %dma_start3A_105 = tpu.memref_slice %arg5[%scan3A_104, %dma_start3A] : memref<128x80xi32, #tpu.memory_space<vmem>> -> memref<1x80xi32, #tpu.memory_space<vmem>>
      %dma_start3A_106 = tpu.memref_squeeze %dma_start3A_105 : memref<1x80xi32, #tpu.memory_space<vmem>> -> memref<80xi32, #tpu.memory_space<vmem>>
      %dma_start3A_107 = arith.constant 0 : i32
      %dma_start3A_108 = tpu.memref_slice %arg9[%dma_start3A_107] : memref<10240xf32, #tpu.memory_space<vmem_shared>> -> memref<10240xf32, #tpu.memory_space<vmem_shared>>
      tpu.enqueue_indirect_dma source(%arg6 : memref<80xf32, #tpu.memory_space<vmem>>) target(%dma_start3A_108 : memref<10240xf32, #tpu.memory_space<vmem_shared>>) offsets(%dma_start3A_106 : memref<80xi32, #tpu.memory_space<vmem>>) semaphore(%arg8 : memref<!tpu.dma_semaphore, #tpu.memory_space<semaphore_mem>>) {add = true}
      %ge3A = arith.constant 8 : i32
      %ge3A_109 = arith.cmpi sge, %scan3A_104, %ge3A : i32
      %convert_element_type3A = arith.extui %ge3A_109 : i1 to i32
      %cond3A = arith.constant 0 : i32
      %cond3A_110 = arith.cmpi ne, %convert_element_type3A, %cond3A : i32
      scf.if %cond3A_110 {
        %dma_wait3A_111 = arith.constant 0 : i32
        %dma_wait3A_112 = arith.constant 0 : i32
        %dma_wait3A_113 = tpu.memref_slice %arg4[%dma_wait3A_111, %dma_wait3A_112] : memref<2x10240xf32, #tpu.memory_space<hbm>> -> memref<1x80xf32, #tpu.memory_space<hbm>>
        %dma_wait3A_114 = tpu.memref_squeeze %dma_wait3A_113 : memref<1x80xf32, #tpu.memory_space<hbm>> -> memref<80xf32, #tpu.memory_space<hbm>>
        %dma_wait3A_115 = arith.constant 0 : i32
        %dma_wait3A_116 = tpu.memref_slice %arg4[%dma_wait3A_111, %dma_wait3A_115] : memref<2x10240xf32, #tpu.memory_space<hbm>> -> memref<1x80xf32, #tpu.memory_space<hbm>>
        %dma_wait3A_117 = tpu.memref_squeeze %dma_wait3A_116 : memref<1x80xf32, #tpu.memory_space<hbm>> -> memref<80xf32, #tpu.memory_space<hbm>>
        tpu.wait_dma2 semaphore(%arg8 : memref<!tpu.dma_semaphore, #tpu.memory_space<semaphore_mem>>) src(%dma_wait3A_117 : memref<80xf32, #tpu.memory_space<hbm>>) dst(%arg6 : memref<80xf32, #tpu.memory_space<vmem>>)
      } else {
      }
    }
    %scan3A_45 = arith.constant 128 : i32
    %dma_wait3A = arith.constant 0 : i32
    %dma_wait3A_46 = arith.constant 0 : i32
    %dma_wait3A_47 = tpu.memref_slice %arg4[%dma_wait3A, %dma_wait3A_46] : memref<2x10240xf32, #tpu.memory_space<hbm>> -> memref<1x80xf32, #tpu.memory_space<hbm>>
    %dma_wait3A_48 = tpu.memref_squeeze %dma_wait3A_47 : memref<1x80xf32, #tpu.memory_space<hbm>> -> memref<80xf32, #tpu.memory_space<hbm>>
    %dma_wait3A_49 = arith.constant 0 : i32
    %dma_wait3A_50 = tpu.memref_slice %arg4[%dma_wait3A, %dma_wait3A_49] : memref<2x10240xf32, #tpu.memory_space<hbm>> -> memref<1x80xf32, #tpu.memory_space<hbm>>
    %dma_wait3A_51 = tpu.memref_squeeze %dma_wait3A_50 : memref<1x80xf32, #tpu.memory_space<hbm>> -> memref<80xf32, #tpu.memory_space<hbm>>
    tpu.wait_dma2 semaphore(%arg8 : memref<!tpu.dma_semaphore, #tpu.memory_space<semaphore_mem>>) src(%dma_wait3A_51 : memref<80xf32, #tpu.memory_space<hbm>>) dst(%arg6 : memref<80xf32, #tpu.memory_space<vmem>>)
    %dma_wait3A_52 = arith.constant 0 : i32
    %dma_wait3A_53 = arith.constant 0 : i32
    %dma_wait3A_54 = tpu.memref_slice %arg4[%dma_wait3A_52, %dma_wait3A_53] : memref<2x10240xf32, #tpu.memory_space<hbm>> -> memref<1x80xf32, #tpu.memory_space<hbm>>
    %dma_wait3A_55 = tpu.memref_squeeze %dma_wait3A_54 : memref<1x80xf32, #tpu.memory_space<hbm>> -> memref<80xf32, #tpu.memory_space<hbm>>
    %dma_wait3A_56 = arith.constant 0 : i32
    %dma_wait3A_57 = tpu.memref_slice %arg4[%dma_wait3A_52, %dma_wait3A_56] : memref<2x10240xf32, #tpu.memory_space<hbm>> -> memref<1x80xf32, #tpu.memory_space<hbm>>
    %dma_wait3A_58 = tpu.memref_squeeze %dma_wait3A_57 : memref<1x80xf32, #tpu.memory_space<hbm>> -> memref<80xf32, #tpu.memory_space<hbm>>
    tpu.wait_dma2 semaphore(%arg8 : memref<!tpu.dma_semaphore, #tpu.memory_space<semaphore_mem>>) src(%dma_wait3A_58 : memref<80xf32, #tpu.memory_space<hbm>>) dst(%arg6 : memref<80xf32, #tpu.memory_space<vmem>>)
    %dma_wait3A_59 = arith.constant 0 : i32
    %dma_wait3A_60 = arith.constant 0 : i32
    %dma_wait3A_61 = tpu.memref_slice %arg4[%dma_wait3A_59, %dma_wait3A_60] : memref<2x10240xf32, #tpu.memory_space<hbm>> -> memref<1x80xf32, #tpu.memory_space<hbm>>
    %dma_wait3A_62 = tpu.memref_squeeze %dma_wait3A_61 : memref<1x80xf32, #tpu.memory_space<hbm>> -> memref<80xf32, #tpu.memory_space<hbm>>
    %dma_wait3A_63 = arith.constant 0 : i32
    %dma_wait3A_64 = tpu.memref_slice %arg4[%dma_wait3A_59, %dma_wait3A_63] : memref<2x10240xf32, #tpu.memory_space<hbm>> -> memref<1x80xf32, #tpu.memory_space<hbm>>
    %dma_wait3A_65 = tpu.memref_squeeze %dma_wait3A_64 : memref<1x80xf32, #tpu.memory_space<hbm>> -> memref<80xf32, #tpu.memory_space<hbm>>
    tpu.wait_dma2 semaphore(%arg8 : memref<!tpu.dma_semaphore, #tpu.memory_space<semaphore_mem>>) src(%dma_wait3A_65 : memref<80xf32, #tpu.memory_space<hbm>>) dst(%arg6 : memref<80xf32, #tpu.memory_space<vmem>>)
    %dma_wait3A_66 = arith.constant 0 : i32
    %dma_wait3A_67 = arith.constant 0 : i32
    %dma_wait3A_68 = tpu.memref_slice %arg4[%dma_wait3A_66, %dma_wait3A_67] : memref<2x10240xf32, #tpu.memory_space<hbm>> -> memref<1x80xf32, #tpu.memory_space<hbm>>
    %dma_wait3A_69 = tpu.memref_squeeze %dma_wait3A_68 : memref<1x80xf32, #tpu.memory_space<hbm>> -> memref<80xf32, #tpu.memory_space<hbm>>
    %dma_wait3A_70 = arith.constant 0 : i32
    %dma_wait3A_71 = tpu.memref_slice %arg4[%dma_wait3A_66, %dma_wait3A_70] : memref<2x10240xf32, #tpu.memory_space<hbm>> -> memref<1x80xf32, #tpu.memory_space<hbm>>
    %dma_wait3A_72 = tpu.memref_squeeze %dma_wait3A_71 : memref<1x80xf32, #tpu.memory_space<hbm>> -> memref<80xf32, #tpu.memory_space<hbm>>
    tpu.wait_dma2 semaphore(%arg8 : memref<!tpu.dma_semaphore, #tpu.memory_space<semaphore_mem>>) src(%dma_wait3A_72 : memref<80xf32, #tpu.memory_space<hbm>>) dst(%arg6 : memref<80xf32, #tpu.memory_space<vmem>>)
    %dma_wait3A_73 = arith.constant 0 : i32
    %dma_wait3A_74 = arith.constant 0 : i32
    %dma_wait3A_75 = tpu.memref_slice %arg4[%dma_wait3A_73, %dma_wait3A_74] : memref<2x10240xf32, #tpu.memory_space<hbm>> -> memref<1x80xf32, #tpu.memory_space<hbm>>
    %dma_wait3A_76 = tpu.memref_squeeze %dma_wait3A_75 : memref<1x80xf32, #tpu.memory_space<hbm>> -> memref<80xf32, #tpu.memory_space<hbm>>
    %dma_wait3A_77 = arith.constant 0 : i32
    %dma_wait3A_78 = tpu.memref_slice %arg4[%dma_wait3A_73, %dma_wait3A_77] : memref<2x10240xf32, #tpu.memory_space<hbm>> -> memref<1x80xf32, #tpu.memory_space<hbm>>
    %dma_wait3A_79 = tpu.memref_squeeze %dma_wait3A_78 : memref<1x80xf32, #tpu.memory_space<hbm>> -> memref<80xf32, #tpu.memory_space<hbm>>
    tpu.wait_dma2 semaphore(%arg8 : memref<!tpu.dma_semaphore, #tpu.memory_space<semaphore_mem>>) src(%dma_wait3A_79 : memref<80xf32, #tpu.memory_space<hbm>>) dst(%arg6 : memref<80xf32, #tpu.memory_space<vmem>>)
    %dma_wait3A_80 = arith.constant 0 : i32
    %dma_wait3A_81 = arith.constant 0 : i32
    %dma_wait3A_82 = tpu.memref_slice %arg4[%dma_wait3A_80, %dma_wait3A_81] : memref<2x10240xf32, #tpu.memory_space<hbm>> -> memref<1x80xf32, #tpu.memory_space<hbm>>
    %dma_wait3A_83 = tpu.memref_squeeze %dma_wait3A_82 : memref<1x80xf32, #tpu.memory_space<hbm>> -> memref<80xf32, #tpu.memory_space<hbm>>
    %dma_wait3A_84 = arith.constant 0 : i32
    %dma_wait3A_85 = tpu.memref_slice %arg4[%dma_wait3A_80, %dma_wait3A_84] : memref<2x10240xf32, #tpu.memory_space<hbm>> -> memref<1x80xf32, #tpu.memory_space<hbm>>
    %dma_wait3A_86 = tpu.memref_squeeze %dma_wait3A_85 : memref<1x80xf32, #tpu.memory_space<hbm>> -> memref<80xf32, #tpu.memory_space<hbm>>
    tpu.wait_dma2 semaphore(%arg8 : memref<!tpu.dma_semaphore, #tpu.memory_space<semaphore_mem>>) src(%dma_wait3A_86 : memref<80xf32, #tpu.memory_space<hbm>>) dst(%arg6 : memref<80xf32, #tpu.memory_space<vmem>>)
    %dma_wait3A_87 = arith.constant 0 : i32
    %dma_wait3A_88 = arith.constant 0 : i32
    %dma_wait3A_89 = tpu.memref_slice %arg4[%dma_wait3A_87, %dma_wait3A_88] : memref<2x10240xf32, #tpu.memory_space<hbm>> -> memref<1x80xf32, #tpu.memory_space<hbm>>
    %dma_wait3A_90 = tpu.memref_squeeze %dma_wait3A_89 : memref<1x80xf32, #tpu.memory_space<hbm>> -> memref<80xf32, #tpu.memory_space<hbm>>
    %dma_wait3A_91 = arith.constant 0 : i32
    %dma_wait3A_92 = tpu.memref_slice %arg4[%dma_wait3A_87, %dma_wait3A_91] : memref<2x10240xf32, #tpu.memory_space<hbm>> -> memref<1x80xf32, #tpu.memory_space<hbm>>
    %dma_wait3A_93 = tpu.memref_squeeze %dma_wait3A_92 : memref<1x80xf32, #tpu.memory_space<hbm>> -> memref<80xf32, #tpu.memory_space<hbm>>
    tpu.wait_dma2 semaphore(%arg8 : memref<!tpu.dma_semaphore, #tpu.memory_space<semaphore_mem>>) src(%dma_wait3A_93 : memref<80xf32, #tpu.memory_space<hbm>>) dst(%arg6 : memref<80xf32, #tpu.memory_space<vmem>>)
    %dma_wait3A_94 = arith.constant 0 : i32
    %dma_wait3A_95 = arith.constant 0 : i32
    %dma_wait3A_96 = tpu.memref_slice %arg4[%dma_wait3A_94, %dma_wait3A_95] : memref<2x10240xf32, #tpu.memory_space<hbm>> -> memref<1x80xf32, #tpu.memory_space<hbm>>
    %dma_wait3A_97 = tpu.memref_squeeze %dma_wait3A_96 : memref<1x80xf32, #tpu.memory_space<hbm>> -> memref<80xf32, #tpu.memory_space<hbm>>
    %dma_wait3A_98 = arith.constant 0 : i32
    %dma_wait3A_99 = tpu.memref_slice %arg4[%dma_wait3A_94, %dma_wait3A_98] : memref<2x10240xf32, #tpu.memory_space<hbm>> -> memref<1x80xf32, #tpu.memory_space<hbm>>
    %dma_wait3A_100 = tpu.memref_squeeze %dma_wait3A_99 : memref<1x80xf32, #tpu.memory_space<hbm>> -> memref<80xf32, #tpu.memory_space<hbm>>
    tpu.wait_dma2 semaphore(%arg8 : memref<!tpu.dma_semaphore, #tpu.memory_space<semaphore_mem>>) src(%dma_wait3A_100 : memref<80xf32, #tpu.memory_space<hbm>>) dst(%arg6 : memref<80xf32, #tpu.memory_space<vmem>>)
    %barrier3A_101 = arith.constant 0 : index
    tpu.barrier barrier_id(%barrier3A_101)
    %mul3A_102 = arith.constant 640 : i32
    %mul3A_103 = arith.muli %arg1, %mul3A_102 : i32
    "tpu.region"() ({
      %run_scoped3A_104 = tpu.sem_alloc : memref<!tpu.dma_semaphore, #tpu.memory_space<semaphore_mem>>
      %dma_start3A = tpu.memref_slice %arg4[%arg0, %mul3A_103] : memref<2x10240xf32, #tpu.memory_space<hbm>> -> memref<1x640xf32, #tpu.memory_space<hbm>>
      %dma_start3A_105 = tpu.memref_squeeze %dma_start3A : memref<1x640xf32, #tpu.memory_space<hbm>> -> memref<640xf32, #tpu.memory_space<hbm>>
      %dma_start3A_106 = tpu.memref_slice %arg9[%mul3A_103] : memref<10240xf32, #tpu.memory_space<vmem_shared>> -> memref<640xf32, #tpu.memory_space<vmem_shared>>
      tpu.enqueue_dma source(%dma_start3A_106 : memref<640xf32, #tpu.memory_space<vmem_shared>>) target(%dma_start3A_105 : memref<640xf32, #tpu.memory_space<hbm>>) target_semaphore(%run_scoped3A_104 : memref<!tpu.dma_semaphore, #tpu.memory_space<semaphore_mem>>)
      %dma_wait3A_107 = tpu.memref_slice %arg4[%arg0, %mul3A_103] : memref<2x10240xf32, #tpu.memory_space<hbm>> -> memref<1x640xf32, #tpu.memory_space<hbm>>
      %dma_wait3A_108 = tpu.memref_squeeze %dma_wait3A_107 : memref<1x640xf32, #tpu.memory_space<hbm>> -> memref<640xf32, #tpu.memory_space<hbm>>
      %dma_wait3A_109 = tpu.memref_slice %arg9[%mul3A_103] : memref<10240xf32, #tpu.memory_space<vmem_shared>> -> memref<640xf32, #tpu.memory_space<vmem_shared>>
      tpu.wait_dma2 semaphore(%run_scoped3A_104 : memref<!tpu.dma_semaphore, #tpu.memory_space<semaphore_mem>>) src(%dma_wait3A_109 : memref<640xf32, #tpu.memory_space<vmem_shared>>) dst(%dma_wait3A_108 : memref<640xf32, #tpu.memory_space<hbm>>)
      tpu.yield
    }) : () -> ()
    return
  }
}

module attributes {stable_mosaic.version = 14 : i64} {
  func.func @_mm_body(%arg0: i32, %arg1: memref<1024x96xf32, #tpu.memory_space<vmem>>, %arg2: memref<1x1x1024xi32, #tpu.memory_space<vmem>>, %arg3: memref<16x32xf32, #tpu.memory_space<vmem>>, %arg4: memref<96x128xf32, #tpu.memory_space<vmem>>, %arg5: memref<32x128xf32, #tpu.memory_space<vmem>>, %arg6: memref<1024x128xf32, #tpu.memory_space<vmem>>) attributes {dimension_semantics = [#tpu.dimension_semantics<arbitrary>], iteration_bounds = array<i64: 10>, scalar_prefetch = 0 : i64, scratch_operands = 0 : i64, tpu.core_type = #tpu.core_type<tc>, window_params = [{transform_indices = @transform_0, window_bounds = array<i64: 1024, 96>}, {transform_indices = @transform_1, window_bounds = array<i64: 1, 1, 1024>}, {pipeline_mode = #tpu.pipeline_mode<synchronous>, transform_indices = @transform_2, window_bounds = array<i64: 16, 32>}, {pipeline_mode = #tpu.pipeline_mode<synchronous>, transform_indices = @transform_3, window_bounds = array<i64: 96, 128>}, {pipeline_mode = #tpu.pipeline_mode<synchronous>, transform_indices = @transform_4, window_bounds = array<i64: 32, 128>}, {transform_indices = @transform_5, window_bounds = array<i64: 1024, 128>}]} {
    %get3A = arith.constant 0 : index
    %get3A_0 = arith.constant 0 : index
    %get3A_1 = arith.constant 0 : index
    %get3A_2 = vector.load %arg2[%get3A, %get3A_0, %get3A_1] : memref<1x1x1024xi32, #tpu.memory_space<vmem>>, vector<1x1x1024xi32>
    %get3A_3 = vector.shape_cast %get3A_2 : vector<1x1x1024xi32> to vector<1024xi32>
    %broadcast_in_dim3A = vector.shape_cast %get3A_3 : vector<1024xi32> to vector<1024x1xi32>
    %iota3A = tpu.iota {dimensions = array<i32: 1>} : vector<1x16xi32>
    %eq3A = vector.broadcast %broadcast_in_dim3A : vector<1024x1xi32> to vector<1024x16xi32>
    %eq3A_4 = vector.broadcast %iota3A : vector<1x16xi32> to vector<1024x16xi32>
    %eq3A_5 = arith.cmpi eq, %eq3A, %eq3A_4 : vector<1024x16xi32>
    %convert_element_type3A = arith.extui %eq3A_5 : vector<1024x16xi1> to vector<1024x16xi32>
    %convert_element_type3A_6 = arith.sitofp %convert_element_type3A : vector<1024x16xi32> to vector<1024x16xf32>
    %get3A_7 = arith.constant 0 : index
    %get3A_8 = arith.constant 0 : index
    %get3A_9 = vector.load %arg3[%get3A_7, %get3A_8] : memref<16x32xf32, #tpu.memory_space<vmem>>, vector<16x32xf32>
    %get3A_10 = arith.constant 0 : index
    %get3A_11 = arith.constant 0 : index
    %get3A_12 = vector.load %arg5[%get3A_10, %get3A_11] : memref<32x128xf32, #tpu.memory_space<vmem>>, vector<32x128xf32>
    %dot_general3A = arith.constant dense<0.000000e+00> : vector<16x128xf32>
    %dot_general3A_13 = tpu.matmul %get3A_9, %get3A_12, %dot_general3A {dimension_numbers = #tpu.dot_dimension_numbers<[1], [0], [0], [1], [0, 0, 1, 1], [], []>, transpose_lhs_hint = false} : vector<16x32xf32>, vector<32x128xf32>, vector<16x128xf32> -> vector<16x128xf32>
    %get3A_14 = arith.constant 0 : index
    %get3A_15 = arith.constant 0 : index
    %get3A_16 = vector.load %arg1[%get3A_14, %get3A_15] : memref<1024x96xf32, #tpu.memory_space<vmem>>, vector<1024x96xf32>
    %get3A_17 = arith.constant 0 : index
    %get3A_18 = arith.constant 0 : index
    %get3A_19 = vector.load %arg4[%get3A_17, %get3A_18] : memref<96x128xf32, #tpu.memory_space<vmem>>, vector<96x128xf32>
    %dot_general3A_20 = arith.constant dense<0.000000e+00> : vector<1024x128xf32>
    %dot_general3A_21 = tpu.matmul %get3A_16, %get3A_19, %dot_general3A_20 {dimension_numbers = #tpu.dot_dimension_numbers<[1], [0], [0], [1], [0, 0, 1, 1], [], []>, transpose_lhs_hint = false} : vector<1024x96xf32>, vector<96x128xf32>, vector<1024x128xf32> -> vector<1024x128xf32>
    %dot_general3A_22 = arith.constant dense<0.000000e+00> : vector<1024x128xf32>
    %dot_general3A_23 = tpu.matmul %convert_element_type3A_6, %dot_general3A_13, %dot_general3A_22 {dimension_numbers = #tpu.dot_dimension_numbers<[1], [0], [0], [1], [0, 0, 1, 1], [], []>, transpose_lhs_hint = false} : vector<1024x16xf32>, vector<16x128xf32>, vector<1024x128xf32> -> vector<1024x128xf32>
    %add3A = arith.addf %dot_general3A_21, %dot_general3A_23 : vector<1024x128xf32>
    %swap3A = arith.constant 0 : index
    %swap3A_24 = arith.constant 0 : index
    %swap3A_25 = vector.load %arg6[%swap3A, %swap3A_24] : memref<1024x128xf32, #tpu.memory_space<vmem>>, vector<1024x128xf32>
    tpu.vector_store %arg6[%swap3A, %swap3A_24], %add3A {strides = array<i32>} : memref<1024x128xf32, #tpu.memory_space<vmem>>, vector<1024x128xf32>,
    return
  }
  func.func @transform_0(%arg0: i32) -> (i32, i32) {
    %c0_i32 = arith.constant 0 : i32
    %c0_i32_0 = arith.constant 0 : i32
    return %arg0, %c0_i32 : i32, i32
  }
  func.func @transform_1(%arg0: i32) -> (i32, i32, i32) {
    %c0_i32 = arith.constant 0 : i32
    %c0_i32_0 = arith.constant 0 : i32
    %c0_i32_1 = arith.constant 0 : i32
    return %arg0, %c0_i32, %c0_i32_0 : i32, i32, i32
  }
  func.func @transform_2(%arg0: i32) -> (i32, i32) {
    %c0_i32 = arith.constant 0 : i32
    %c0_i32_0 = arith.constant 0 : i32
    %c0_i32_1 = arith.constant 0 : i32
    return %c0_i32, %c0_i32_0 : i32, i32
  }
  func.func @transform_3(%arg0: i32) -> (i32, i32) {
    %c0_i32 = arith.constant 0 : i32
    %c0_i32_0 = arith.constant 0 : i32
    %c0_i32_1 = arith.constant 0 : i32
    return %c0_i32, %c0_i32_0 : i32, i32
  }
  func.func @transform_4(%arg0: i32) -> (i32, i32) {
    %c0_i32 = arith.constant 0 : i32
    %c0_i32_0 = arith.constant 0 : i32
    %c0_i32_1 = arith.constant 0 : i32
    return %c0_i32, %c0_i32_0 : i32, i32
  }
  func.func @transform_5(%arg0: i32) -> (i32, i32) {
    %c0_i32 = arith.constant 0 : i32
    %c0_i32_0 = arith.constant 0 : i32
    return %arg0, %c0_i32 : i32, i32
  }
}

module attributes {stable_mosaic.version = 14 : i64} {
  func.func @_scale_body(%arg0: i32, %arg1: memref<1024x128xf32, #tpu.memory_space<vmem>>, %arg2: memref<1024x1xf32, #tpu.memory_space<vmem>>, %arg3: memref<1024x128xbf16, #tpu.memory_space<vmem>>) attributes {dimension_semantics = [#tpu.dimension_semantics<arbitrary>], iteration_bounds = array<i64: 10>, scalar_prefetch = 0 : i64, scratch_operands = 0 : i64, tpu.core_type = #tpu.core_type<tc>, window_params = [{transform_indices = @transform_0, window_bounds = array<i64: 1024, 128>}, {transform_indices = @transform_1, window_bounds = array<i64: 1024, 1>}, {transform_indices = @transform_2, window_bounds = array<i64: 1024, 128>}]} {
    %mul3A = arith.constant 1024 : i32
    %mul3A_0 = arith.muli %arg0, %mul3A : i32
    %iota3A = tpu.iota {dimensions = array<i32: 0>} : vector<1024x1xi32>
    %add3A = vector.broadcast %mul3A_0 : i32 to vector<1024x1xi32>
    %add3A_1 = arith.addi %add3A, %iota3A : vector<1024x1xi32>
    %lt3A = arith.constant 10000 : i32
    %lt3A_2 = vector.broadcast %lt3A : i32 to vector<1024x1xi32>
    %lt3A_3 = arith.cmpi slt, %add3A_1, %lt3A_2 : vector<1024x1xi32>
    %get3A = arith.constant 0 : index
    %get3A_4 = arith.constant 0 : index
    %get3A_5 = vector.load %arg2[%get3A, %get3A_4] : memref<1024x1xf32, #tpu.memory_space<vmem>>, vector<1024x1xf32>
    %get3A_6 = arith.constant 0 : index
    %get3A_7 = arith.constant 0 : index
    %get3A_8 = vector.load %arg1[%get3A_6, %get3A_7] : memref<1024x128xf32, #tpu.memory_space<vmem>>, vector<1024x128xf32>
    %mul3A_9 = vector.broadcast %get3A_5 : vector<1024x1xf32> to vector<1024x128xf32>
    %mul3A_10 = arith.mulf %mul3A_9, %get3A_8 : vector<1024x128xf32>
    %jit3A = arith.constant 0.000000e+00 : f32
    %broadcast_in_dim3A = vector.shape_cast %lt3A_3 : vector<1024x1xi1> to vector<1024x1xi1>
    %broadcast_in_dim3A_11 = vector.broadcast %broadcast_in_dim3A : vector<1024x1xi1> to vector<1024x128xi1>
    %broadcast_in_dim3A_12 = vector.broadcast %jit3A : f32 to vector<1024x128xf32>
    %select_n3A = arith.select %broadcast_in_dim3A_11, %mul3A_10, %broadcast_in_dim3A_12 : vector<1024x128xi1>, vector<1024x128xf32>
    %convert_element_type3A = arith.truncf %select_n3A : vector<1024x128xf32> to vector<1024x128xbf16>
    %swap3A = arith.constant 0 : index
    %swap3A_13 = arith.constant 0 : index
    %swap3A_14 = vector.load %arg3[%swap3A, %swap3A_13] : memref<1024x128xbf16, #tpu.memory_space<vmem>>, vector<1024x128xbf16>
    tpu.vector_store %arg3[%swap3A, %swap3A_13], %convert_element_type3A {strides = array<i32>} : memref<1024x128xbf16, #tpu.memory_space<vmem>>, vector<1024x128xbf16>,
    return
  }
  func.func @transform_0(%arg0: i32) -> (i32, i32) {
    %c0_i32 = arith.constant 0 : i32
    %c0_i32_0 = arith.constant 0 : i32
    return %arg0, %c0_i32 : i32, i32
  }
  func.func @transform_1(%arg0: i32) -> (i32, i32) {
    %c0_i32 = arith.constant 0 : i32
    %c0_i32_0 = arith.constant 0 : i32
    return %arg0, %c0_i32 : i32, i32
  }
  func.func @transform_2(%arg0: i32) -> (i32, i32) {
    %c0_i32 = arith.constant 0 : i32
    %c0_i32_0 = arith.constant 0 : i32
    return %arg0, %c0_i32 : i32, i32
  }
}

module attributes {stable_mosaic.version = 14 : i64} {
  func.func @_epi_body(%arg0: i32, %arg1: memref<2x1000x128xbf16, #tpu.memory_space<vmem>>, %arg2: memref<1000x128xbf16, #tpu.memory_space<vmem>>, %arg3: memref<1000x1xf32, #tpu.memory_space<vmem>>, %arg4: memref<1x128xf32, #tpu.memory_space<vmem>>, %arg5: memref<1x128xf32, #tpu.memory_space<vmem>>, %arg6: memref<1000x128xf32, #tpu.memory_space<vmem>>) attributes {dimension_semantics = [#tpu.dimension_semantics<arbitrary>], iteration_bounds = array<i64: 10>, scalar_prefetch = 0 : i64, scratch_operands = 0 : i64, tpu.core_type = #tpu.core_type<tc>, window_params = [{transform_indices = @transform_0, window_bounds = array<i64: 2, 1000, 128>}, {transform_indices = @transform_1, window_bounds = array<i64: 1000, 128>}, {transform_indices = @transform_2, window_bounds = array<i64: 1000, 1>}, {pipeline_mode = #tpu.pipeline_mode<synchronous>, transform_indices = @transform_3, window_bounds = array<i64: 1, 128>}, {pipeline_mode = #tpu.pipeline_mode<synchronous>, transform_indices = @transform_4, window_bounds = array<i64: 1, 128>}, {transform_indices = @transform_5, window_bounds = array<i64: 1000, 128>}]} {
    %get3A = arith.constant 0 : index
    %get3A_0 = arith.constant 0 : index
    %get3A_1 = arith.constant 0 : index
    %get3A_2 = vector.load %arg1[%get3A, %get3A_0, %get3A_1] : memref<2x1000x128xbf16, #tpu.memory_space<vmem>>, vector<1x1000x128xbf16>
    %get3A_3 = vector.shape_cast %get3A_2 : vector<1x1000x128xbf16> to vector<1000x128xbf16>
    %convert_element_type3A = arith.extf %get3A_3 : vector<1000x128xbf16> to vector<1000x128xf32>
    %get3A_4 = arith.constant 1 : index
    %get3A_5 = arith.constant 0 : index
    %get3A_6 = arith.constant 0 : index
    %get3A_7 = vector.load %arg1[%get3A_4, %get3A_5, %get3A_6] : memref<2x1000x128xbf16, #tpu.memory_space<vmem>>, vector<1x1000x128xbf16>
    %get3A_8 = vector.shape_cast %get3A_7 : vector<1x1000x128xbf16> to vector<1000x128xbf16>
    %convert_element_type3A_9 = arith.extf %get3A_8 : vector<1000x128xbf16> to vector<1000x128xf32>
    %add3A = arith.addf %convert_element_type3A, %convert_element_type3A_9 : vector<1000x128xf32>
    %get3A_10 = arith.constant 0 : index
    %get3A_11 = arith.constant 0 : index
    %get3A_12 = vector.load %arg3[%get3A_10, %get3A_11] : memref<1000x1xf32, #tpu.memory_space<vmem>>, vector<1000x1xf32>
    %get3A_13 = arith.constant 0 : index
    %get3A_14 = arith.constant 0 : index
    %get3A_15 = vector.load %arg2[%get3A_13, %get3A_14] : memref<1000x128xbf16, #tpu.memory_space<vmem>>, vector<1000x128xbf16>
    %convert_element_type3A_16 = arith.extf %get3A_15 : vector<1000x128xbf16> to vector<1000x128xf32>
    %add3A_17 = arith.addf %add3A, %convert_element_type3A_16 : vector<1000x128xf32>
    %mul3A = vector.broadcast %get3A_12 : vector<1000x1xf32> to vector<1000x128xf32>
    %mul3A_18 = arith.mulf %mul3A, %add3A_17 : vector<1000x128xf32>
    %get3A_19 = arith.constant 0 : index
    %get3A_20 = arith.constant 0 : index
    %get3A_21 = vector.load %arg4[%get3A_19, %get3A_20] : memref<1x128xf32, #tpu.memory_space<vmem>>, vector<1x128xf32>
    %add3A_22 = vector.broadcast %get3A_21 : vector<1x128xf32> to vector<1000x128xf32>
    %add3A_23 = arith.addf %mul3A_18, %add3A_22 : vector<1000x128xf32>
    %ge3A = arith.constant 0.000000e+00 : f32
    %ge3A_24 = vector.broadcast %ge3A : f32 to vector<1000x128xf32>
    %ge3A_25 = arith.cmpf oge, %add3A_23, %ge3A_24 : vector<1000x128xf32>
    %get3A_26 = arith.constant 0 : index
    %get3A_27 = arith.constant 0 : index
    %get3A_28 = vector.load %arg5[%get3A_26, %get3A_27] : memref<1x128xf32, #tpu.memory_space<vmem>>, vector<1x128xf32>
    %mul3A_29 = vector.broadcast %get3A_28 : vector<1x128xf32> to vector<1000x128xf32>
    %mul3A_30 = arith.mulf %mul3A_29, %add3A_23 : vector<1000x128xf32>
    %select_n3A = arith.select %ge3A_25, %add3A_23, %mul3A_30 : vector<1000x128xi1>, vector<1000x128xf32>
    %swap3A = arith.constant 0 : index
    %swap3A_31 = arith.constant 0 : index
    %swap3A_32 = vector.load %arg6[%swap3A, %swap3A_31] : memref<1000x128xf32, #tpu.memory_space<vmem>>, vector<1000x128xf32>
    tpu.vector_store %arg6[%swap3A, %swap3A_31], %select_n3A {strides = array<i32>} : memref<1000x128xf32, #tpu.memory_space<vmem>>, vector<1000x128xf32>,
    return
  }
  func.func @transform_0(%arg0: i32) -> (i32, i32, i32) {
    %c0_i32 = arith.constant 0 : i32
    %c0_i32_0 = arith.constant 0 : i32
    %c0_i32_1 = arith.constant 0 : i32
    return %c0_i32, %arg0, %c0_i32_0 : i32, i32, i32
  }
  func.func @transform_1(%arg0: i32) -> (i32, i32) {
    %c0_i32 = arith.constant 0 : i32
    %c0_i32_0 = arith.constant 0 : i32
    return %arg0, %c0_i32 : i32, i32
  }
  func.func @transform_2(%arg0: i32) -> (i32, i32) {
    %c0_i32 = arith.constant 0 : i32
    %c0_i32_0 = arith.constant 0 : i32
    return %arg0, %c0_i32 : i32, i32
  }
  func.func @transform_3(%arg0: i32) -> (i32, i32) {
    %c0_i32 = arith.constant 0 : i32
    %c0_i32_0 = arith.constant 0 : i32
    %c0_i32_1 = arith.constant 0 : i32
    return %c0_i32, %c0_i32_0 : i32, i32
  }
  func.func @transform_4(%arg0: i32) -> (i32, i32) {
    %c0_i32 = arith.constant 0 : i32
    %c0_i32_0 = arith.constant 0 : i32
    %c0_i32_1 = arith.constant 0 : i32
    return %c0_i32, %c0_i32_0 : i32, i32
  }
  func.func @transform_5(%arg0: i32) -> (i32, i32) {
    %c0_i32 = arith.constant 0 : i32
    %c0_i32_0 = arith.constant 0 : i32
    return %arg0, %c0_i32 : i32, i32
  }
}

</mosaic_0001>

<sc_bundles>
// kernel: kernel.10.cloned.1.call-start
scs
__scs_entry_jumppad:
0x0: {  	(pc) =	sbr.rel $0x88, $3  }
0x1: {  	(tag) =	ssettag $0x0;
	lr =	simm.s32 $0x1  }
0x2: {  	[smem:$0x3F9A] =	sst lr;
	_ =	strace $0xD0000000  }
0x3: {  	_ = 	snop  }
0x4: {  	_ = 	snop  }
0x5: {  	_ = 	snop  }
0x6: {  	_ = 	snop  }
0x7: {  	_ = 	snop  }
__scs_overlays_trampoline_lowered:
0x8: {  	[smem:$0x3FA9] =	sst s0  }
0x9: {  	[smem:$0x3FAA] =	sst s1  }
0xa: {  	[smem:$0x3FAB] =	sst s2  }
0xb: {  	[smem:$0x3FAC] =	sst s3  }
0xc: {  	[smem:$0x3FAD] =	sst s4  }
0xd: {  	[smem:$0x3FAE] =	sst s5  }
0xe: {  	[smem:$0x3FAF] =	sst s6  }
0xf: {  	[smem:$0x3FB0] =	sst s7  }
0x10: {  	[smem:$0x3FB1] =	sst s8  }
0x11: {  	[smem:$0x3FB2] =	sst s9;
	s0 =	simm.s32 @!p0 $0x0  }
0x12: {  	s1 =	sld [smem:$0x3F98];
	s0 =	simm.s32 @p0 $0x1  }
0x13: {  	[smem:$0x3FB3] =	sst s0;
	s0 =	simm.s32 @!p1 $0x0  }
0x14: {  	s2 =	sld [smem:$0x3F97];
	s0 =	simm.s32 @p1 $0x1  }
0x15: {  	[smem:$0x3FB4] =	sst s0;
	s0 =	simm.s32 @!p2 $0x0  }
0x16: {  	s3 =	sld [smem:$0x3FDB];
	s0 =	simm.s32 @p2 $0x1  }
0x17: {  	s4 =	simm.s32 $0x1BF5;
	[smem:$0x3FB6] =	sst s0  }
0x18: {  	s0 =	sld [smem:$0x3F99];
	_ =	swait.ge [sflag:s4], $0x0  }
0x19: {  	s7 =	sld [smem:$0x3F9A]  }
0x1a: {  	s8 =	sadd.s32 $0xFFFFE003, lr  }
0x1b: {  	s9 =	sadd.s32 $0xFFFFFEF7, lr;
	s5 =	simm.s32 $0xFFFFFFFF;
	p2 =	slt.u32 s8, $0xFFFFF086  }
0x1c: {  	p1 =	slt.u32 s9, $0xF7A;
	s5 =	simm.s32 @!p2 $0x0  }
0x1d: {  	s5 =	simm.s32 @p1 $0x1;
	p0 =	seq.s32 s7, s2  }
0x1e: {  	s7 =	smul.u32 @!p0 $0xF7A, s2;
	p2 =	seq.s32 @!p0 s5, $0x0  }
0x1f: {  	s9 =	smul.u32 $0xF7A, s1;
	s8 =	simm.s32 @!p0 $0x1BF5;
	p2 =	por !p2, p0  }
0x20: {  	[sflag:s8] =	ssyncset.s32 @!p0 $0xFFFFF086;
	s6 =	sadd.s32 @!p0 s3, s7;
	s7 =	simm.s32 @!p0 $0x108  }
0x21: {  	s3 =	sadd.s32 s3, s9;
	s6 =	sadd.s32 @!p0 $0x88, s6;
	s7 =	simm.s32 @p2 $0x1082  }
0x22: {  	[simem:s7], [sflag:s8] =	dma.local @!p0 [hbm:s6], $0xF7A  }
0x23: {  	s9 =	sor.u32 $0xD0000000, s2;
	s6 =	simm.s32 $0x108;
	_ =	swait.ge @!p0 [sflag:s8], $0x0  }
0x24: {  	s3 =	sadd.s32 $0x88, s3;
	s6 =	simm.s32 @!p1 $0x1082;
	[sflag:s4] =	ssyncset.s32 $0xFFFFF086  }
0x25: {  	[simem:s6], [sflag:s4] =	dma.local [hbm:s3], $0xF7A  }
0x26: {  	[smem:$0x3F9A] =	sst s1;
	(tag) =	ssettag s2;
	_ =	strace s9  }
0x27: {  	s1 =	sld [smem:$0x3FAA]  }
0x28: {  	s2 =	sld [smem:$0x3FAB]  }
0x29: {  	s4 =	sld [smem:$0x3FAD]  }
0x2a: {  	p0 =	seq.s32 s5, $0x0;
	s5 =	sld [smem:$0x3FAE]  }
0x2b: {  	s6 =	sld [smem:$0x3FAF]  }
0x2c: {  	s7 =	sld [smem:$0x3FB0]  }
0x2d: {  	s3 =	simm.s32 $0x108;
	s8 =	sld [smem:$0x3FB1]  }
0x2e: {  	s3 =	simm.s32 @!p0 $0x1082;
	s9 =	sld [smem:$0x3FB2]  }
0x2f: {  	lr =	sadd.s32 s0, s3;
	s0 =	sld [smem:$0x3FA9]  }
0x30: {  	s3 =	sld [smem:$0x3FAC]  }
0x31: {  	[smem:$0x3FB5] =	sst s10  }
0x32: {  	s10 =	sld [smem:$0x3FB3];
	_ =	sdelay $0x3  }
0x33: {  	p0 =	seq.s32 s10, $0x1;
	s10 =	sld [smem:$0x3FB5];
	_ =	sdelay $0x3  }
0x34: {  	[smem:$0x3FB5] =	sst s10  }
0x35: {  	s10 =	sld [smem:$0x3FB4];
	_ =	sdelay $0x3  }
0x36: {  	p1 =	seq.s32 s10, $0x1;
	s10 =	sld [smem:$0x3FB5];
	_ =	sdelay $0x3  }
0x37: {  	[smem:$0x3FB5] =	sst s10  }
0x38: {  	s10 =	sld [smem:$0x3FB6]  }
0x39: {  	_ = 	snop;
	(pc) =	sbr.ind lr, $3  }
0x3a: {  	_ = 	snop  }
0x3b: {  	_ = 	snop  }
0x3c: {  	p2 =	seq.s32 s10, $0x1;
	s10 =	sld [smem:$0x3FB5]  }
0x3d: {  	_ =	shalt  }
0x3e: {  	_ =	shalt  }
0x3f: {  	_ =	shalt  }
0x40: {  	_ =	shalt  }
0x41: {  	_ =	shalt  }
0x42: {  	_ =	shalt  }
0x43: {  	_ =	shalt  }
0x44: {  	_ =	shalt  }
0x45: {  	_ =	shalt  }
0x46: {  	_ =	shalt  }
0x47: {  	_ =	shalt  }
0x48: {  	_ =	shalt  }
0x49: {  	_ =	shalt  }
0x4a: {  	_ =	shalt  }
0x4b: {  	_ =	shalt  }
0x4c: {  	_ =	shalt  }
0x4d: {  	_ =	shalt  }
0x4e: {  	_ =	shalt  }
0x4f: {  	_ =	shalt  }
0x50: {  	_ =	shalt  }
0x51: {  	_ =	shalt  }
0x52: {  	_ =	shalt  }
0x53: {  	_ =	shalt  }
0x54: {  	_ =	shalt  }
0x55: {  	_ =	shalt  }
0x56: {  	_ =	shalt  }
0x57: {  	_ =	shalt  }
0x58: {  	_ =	shalt  }
0x59: {  	_ =	shalt  }
0x5a: {  	_ =	shalt  }
0x5b: {  	_ =	shalt  }
0x5c: {  	_ =	shalt  }
0x5d: {  	_ =	shalt  }
0x5e: {  	_ =	shalt  }
0x5f: {  	_ =	shalt  }
0x60: {  	_ =	shalt  }
0x61: {  	_ =	shalt  }
0x62: {  	_ =	shalt  }
0x63: {  	_ =	shalt  }
0x64: {  	_ =	shalt  }
0x65: {  	_ =	shalt  }
0x66: {  	_ =	shalt  }
0x67: {  	_ =	shalt  }
0x68: {  	_ =	shalt  }
0x69: {  	_ =	shalt  }
0x6a: {  	_ =	shalt  }
0x6b: {  	_ =	shalt  }
0x6c: {  	_ =	shalt  }
0x6d: {  	_ =	shalt  }
0x6e: {  	_ =	shalt  }
0x6f: {  	_ =	shalt  }
0x70: {  	_ =	shalt  }
0x71: {  	_ =	shalt  }
0x72: {  	_ =	shalt  }
0x73: {  	_ =	shalt  }
0x74: {  	_ =	shalt  }
0x75: {  	_ =	shalt  }
0x76: {  	_ =	shalt  }
0x77: {  	_ =	shalt  }
0x78: {  	_ =	shalt  }
0x79: {  	_ =	shalt  }
0x7a: {  	_ =	shalt  }
0x7b: {  	_ =	shalt  }
0x7c: {  	_ =	shalt  }
0x7d: {  	_ =	shalt  }
0x7e: {  	_ =	shalt  }
0x7f: {  	_ =	shalt  }
0x80: {  	_ =	shalt  }
0x81: {  	_ =	shalt  }
0x82: {  	_ =	shalt  }
0x83: {  	_ =	shalt  }
0x84: {  	_ =	shalt  }
0x85: {  	_ =	shalt  }
0x86: {  	_ =	shalt  }
0x87: {  	_ =	shalt  }
.Lfunc_end0:
.L_simem_size_0:
called_computation.1_lowered:
.L_overlay_start_0:
0x88: {  	s2 =	sld [smem:$0x3FD9]  }
0x89: {  	s3 =	sld [smem:$0x3FFE];
	_ =	sdelay $0x1  }
0x8a: {  	s1 =	srdreg.scid  }
0x8b: {  	s0 =	sand.u32 $0x1, s1  }
0x8c: {  	s17 =	sshll.u32 s0, $0xA;
	s2 =	sadd.s32 s3, s2  }
0x8d: {  	s2 =	sadd.s32 s2, s17  }
0x8e: {  	[smem:$0x3FC1] =	sst s2  }
0x8f: {  	_ = 	snop  }
0x90: {  	s2 =	sld [smem:$0x3FD0];
	(tm) =	ssettm $0x1  }
0x91: {  	s18 =	sld [smem:$0x3FFB];
	_ =	sdelay $0x3  }
0x92: {  	_ =	strace s18  }
0x93: {  	s3 =	sld [smem:$0x3FFC];
	_ =	sdelay $0x3  }
0x94: {  	_ =	strace s3  }
0x95: {  	s3 =	sld [smem:$0x3FFD];
	_ =	sdelay $0x3  }
0x96: {  	_ =	strace s3  }
0x97: {  	_ =	strace $0x8FFFFFFF  }
0x98: {  	s19 =	sld [smem:$0x3FDB];
	_ =	sdelay $0x1  }
0x99: {  	s4 =	simm.s32 $_scs_section_size  }
0x9a: {  	s5 =	simm.s32 $_size__tile_overlayer_lowered;
	s6 =	simm.s32 $_tile_overlayer_lowered  }
0x9b: {  	s22 =	simm.s32 $0x1BFF;
	s21 =	sshll.u32 s6, $0x1;
	s3 =	sadd.s32 s4, s19  }
0x9c: {  	s7 =	simm.s32 $0x0;
	s20 =	sshll.u32 s5, $0x1;
	s5 =	sadd.s32 s21, s3  }
0x9d: {  	[timem:s7], [sflag:s22] =	dma.local [hbm:s5], s20  }
0x9e: {  	_ =	swait.ge [sflag:s22], s20  }
0x9f: {  	s4 =	ssub.s32 $0x0, s20;
	[sflag:s22] =	ssyncset.done $0x0  }
0xa0: {  	[sflag:s22] =	ssyncadd.s32 s4;
	_ =	sdelay $0x1  }
0xa1: {  	s23 =	simm.s32 $0x1B8B  }
0xa2: {  	_ =	swait.ge [sflag:s23], $0x1  }
0xa3: {  	[sflag:s23] =	ssyncset.done $0x0  }
0xa4: {  	s25 =	simm.s32 $0x1B8E;
	s24 =	sld [smem:$0x3FFE];
	[sflag:s23] =	ssyncadd.s32 $0xFFFFFFFF  }
0xa5: {  	s26 =	simm.s32 $execute0_lowered;
	[smem:$0x3FD2] =	sst s25  }
0xa6: {  	s5 =	sshll.u32 s26, $0x1;
	_ =	strace $0x80000049;
	[dreg:$0x1] =	wrdreg $0xFFFFFFFF  }
0xa7: {  	s28 =	simm.s32 $_size_execute0_lowered;
	s3 =	sadd.s32 s3, s5;
	[dreg:$0x0] =	wrdreg $0x0  }
0xa8: {  	s5 =	sshll.u32 s28, $0x1;
	[dreg:$0x2] =	wrdreg s3  }
0xa9: {  	[dreg:$0x3] =	wrdreg s5  }
0xaa: {  	[dreg:$0x4] =	wrdreg $0xC0  }
0xab: {  	_ =	task [dreg:s7], $0x5FFFF  }
0xac: {  	[dreg:$0x1] =	wrdreg $0xFFFFFFFF  }
0xad: {  	[dreg:$0x0] =	wrdreg $0x60  }
0xae: {  	[dreg:$0x2] =	wrdreg s2  }
0xaf: {  	[dreg:$0x3] =	wrdreg s24  }
0xb0: {  	[dreg:$0x4] =	wrdreg $0xF0000  }
0xb1: {  	[dreg:$0x5] =	wrdreg $0x9  }
0xb2: {  	_ =	task.clear_ibuf [dreg:s7], $0x6FFFF;
	_ =	strace $0x90000049  }
0xb3: {  	s29 =	simm.s32 $0x9;
	_ =	strace $0x8000004B  }
0xb4: {  	_ =	swait.ge [sflag:s29], $0x1  }
0xb5: {  	[sflag:s29] =	ssyncadd.s32 $0xFFFFFFFF  }
0xb6: {  	_ =	strace $0x9000004B  }
0xb7: {  	_ =	sfence  }
0xb8: {  	s30 =	sld [smem:$0x0];
	_ =	sdelay $0x2  }
0xb9: {  	s31 =	sshll.u32 s1, $0xD;
	s1 =	sshrl.u32 s1, $0x2  }
0xba: {  	s3 =	sand.u32 $0x4000, s31;
	s1 =	sadd.s32 s1, s30  }
0xbb: {  	s0 =	sor.u32 s3, s0;
	s1 =	sshll.u32 s1, $0x11  }
0xbc: {  	s0 =	sor.u32 s1, s0  }
0xbd: {  	s0 =	sadd.s32 $0x8F2B, s0  }
0xbe: {  	[sflag:s0] =	ssyncadd.remote.s32 $0x1  }
0xbf: {  	_ =	sfence.sel $0xFFFF  }
0xc0: {  	[dreg:$0x0] =	wrdreg $0xFFFFFFFF;
	(pc) =	sbr.abs _section_cstart, $3  }
0xc1: {  	[dreg:$0x1] =	wrdreg $0xFFFFFFFF  }
0xc2: {  	_ =	task.clear_ibuf [dreg:s7], $0x2FFFF;
	_ =	strace $0x9FFFFFFF  }
0xc3: {  	(tm) =	ssettm $0x7FFFFFFF  }
tec
execute0_lowered:
.L_overlay_start_1:
0x0: {  	(tag) =	ssettag $0x1  }
0x1: {  	s2 =	rddreg [dreg:$0x0]  }
0x2: {  	s0 =	srdreg.scid;
	s5 =	rddreg [dreg:$0x1]  }
0x3: {  	s10 =	stileid.u32;
	s3 =	rddreg [dreg:$0x2]  }
0x4: {  	s4 =	simm.s32 $0x0;
	s13 =	simm.s32 $0xA;
	s17 =	simm.s32 $0x50  }
0x5: {  	s18 =	simm.s32 $0x5000;
	s19 =	simm.s32 $0x6400;
	s28 =	simm.s32 $0xB400  }
0x6: {  	s29 =	simm.s32 $0x3;
	s30 =	simm.s32 $0xC800;
	s31 =	simm.s32 $0x4  }
0x7: {  	s14 =	simm.s32 $0x9;
	s15 =	simm.s32 $0x6;
	s16 =	simm.s32 $0x7  }
0x8: {  	s20 =	simm.s32 $0x8;
	s0 =	sand.u32 $0x1, s0;
	s7 =	smul.u32 $0x14000, s10  }
0x9: {  	[smem:$0x7FF] =	sst s4;
	s23 =	sshll.u32 s10, $0x6;
	s1 =	sshll.u32 s0, $0x4  }
0xa: {  	s8 =	smul.u32 $0x140000, s0;
	_ =	strace $0x8000004A;
	s1 =	sor.u32 s10, s1  }
0xb: {  	s0 =	ssub.s32 $0x2, s0;
	s21 =	sshrl.u32 s7, $0x4;
	s6 =	smul.u32 $0x2710, s1  }
0xc: {  	s22 =	sshrl.u32 s0, $0x1;
	s1 =	smul.u32 $0x1E, s1;
	s8 =	sadd.s32 s7, s8  }
0xd: {  	s7 =	sshrl.u32 s7, $0x1;
	s0 =	ssub.s32 s0, s22;
	s22 =	simm.s32 $0x0  }
0xe: {  	s8 =	sshrl.u32 s8, $0x4;
	s7 =	sadd.s32 s7, s3;
	s0 =	smax.u32 s0, $0x1  }
0xf: {  	s6 =	sshrl.u32 s6, $0x3;
	s1 =	sadd.s32 s1, s5;
	[dreg:$0x8] =	wrdreg s0  }
0x10: {  	s12 =	sshrl.u32 s7, $0x3;
	s9 =	sadd.s32 s6, s5;
	s6 =	sadd.s32 s21, s5  }
0x11: {  	s0 =	simm.s32 $0x5;
	s5 =	sadd.s32 s8, s5;
	s6 =	sadd.s32 $0x15200, s6  }
0x12: {  	s8 =	sadd.s32 $0x1400, s1;
	s24 =	sadd.s32 $0x1800, s9;
	[dreg:$0x4] =	wrdreg s6  }
0x13: {  	s21 =	simm.s32 $0x7800;
	s25 =	sadd.s32 $0xB440, s9;
	[dreg:$0x5] =	wrdreg s24  }
0x14: {  	s1 =	simm.s32 $0xDC00;
	s26 =	sadd.s32 $0x29200, s5;
	[dreg:$0x6] =	wrdreg s25  }
0x15: {  	s6 =	sor.u32 $0x1C0A, s23;
	[dreg:$0x7] =	wrdreg s26;
	s23 =	simm.s32 $0x8C00  }
0x16: {  	s24 =	simm.s32 $0x1;
	s25 =	simm.s32 $0xA000;
	s26 =	simm.s32 $0x2  }
.LBB2_1:
0x17: {  	s5 =	rddreg [dreg:$0x4]  }
0x18: {  	[spmem:s12], [sflag:s6] =	dma.local [hbm:s5], $0x1400  }
0x19: {  	_ =	swait.ge [sflag:s13], $0x1400  }
0x1a: {  	[sflag:s13] =	ssyncset.done $0x0  }
0x1b: {  	s7 =	rddreg [dreg:$0x5];
	[sflag:s13] =	ssyncadd.s32 $0xFFFFEC00  }
0x1c: {  	[tilespmem:s4], [sflag:$0xA] =	stream.linear.gather [hbm4b:s7+s4], $0x2710, $0x38;
	[tilespmem:$0x19000] =	vst v63  }
0x1d: {  	_ =	swait.ge [sflag:s13], $0x2710  }
0x1e: {  	[sflag:s13] =	ssyncset.done $0x0  }
0x1f: {  	s9 =	simm.s32 $0x2710;
	[sflag:s13] =	ssyncadd.s32 $0xFFFFD8F0  }
0x20: {  	[tilespmem:s9], [sflag:$0xA] =	stream.linear.gather [hbm4b:s8+s4], $0xF0, $0x38;
	[tilespmem:$0x19000] =	vst v63  }
0x21: {  	_ =	swait.ge [sflag:s13], $0xF0  }
0x22: {  	[sflag:s13] =	ssyncset.done $0x0  }
0x23: {  	s7 =	simm.s32 $0x2800;
	s10 =	rddreg [dreg:$0x6];
	[sflag:s13] =	ssyncadd.s32 $0xFFFFFF10  }
0x24: {  	[tilespmem:s7], [sflag:$0xA] =	stream.linear.gather [hbm4b:s10+s4], $0x2710, $0x38;
	[tilespmem:$0x19000] =	vst v63  }
0x25: {  	_ =	swait.ge [sflag:s13], $0x2710  }
0x26: {  	[sflag:s13] =	ssyncset.done $0x0  }
0x27: {  	s11 =	simm.s32 $0x4F10;
	[sflag:s13] =	ssyncadd.s32 $0xFFFFD8F0  }
0x28: {  	[tilespmem:s11], [sflag:$0xA] =	stream.linear.gather [hbm4b:s8+s4], $0xF0, $0x38;
	[tilespmem:$0x19000] =	vst v63  }
0x29: {  	_ =	swait.ge [sflag:s13], $0xF0  }
0x2a: {  	[sflag:s13] =	ssyncset.done $0x0  }
0x2b: {  	[sflag:s13] =	ssyncadd.s32 $0xFFFFFF10  }
0x2c: {  	[bflag:$0x0] =	sbarrier.arrive $0xFFFF  }
0x2d: {  	[tilespmem:s18], [sflag:$0x1] =	stream.indirect.gather [hbm4b:s2+s17], $0x40, s4, s17, $0xb8;
	[tilespmem:$0x19000] =	vst v63  }
0x2e: {  	_ = 	snop  }
0x2f: {  	[tilespmem:s19], [sflag:$0x2] =	stream.indirect.gather [hbm4b:s2+s17], $0x40, s17, s17, $0xb8;
	[tilespmem:$0x19000] =	vst v63  }
0x30: {  	s7 =	simm.s32 $0xA0  }
0x31: {  	[tilespmem:s21], [sflag:$0x3] =	stream.indirect.gather [hbm4b:s2+s17], $0x40, s7, s17, $0xb8;
	[tilespmem:$0x19000] =	vst v63  }
0x32: {  	s9 =	simm.s32 $0xF0  }
0x33: {  	[tilespmem:s23], [sflag:$0x4] =	stream.indirect.gather [hbm4b:s2+s17], $0x40, s9, s17, $0xb8;
	[tilespmem:$0x19000] =	vst v63  }
0x34: {  	_ =	swait.ge [sflag:s24], $0x1400  }
0x35: {  	p0 =	por $0x1, $0x1;
	[sflag:s24] =	ssyncset.done $0x0  }
0x36: {  	s5 =	simm.s32 @!p0 $0x9;
	[sflag:s24] =	ssyncadd.s32 $0xFFFFEC00  }
0x37: {  	_ =	swait.ge @!p0 [sflag:s5], $0x1400  }
0x38: {  	[sflag:s5] =	ssyncset.done @!p0 $0x0  }
0x39: {  	s10 =	simm.s32 $0x2800;
	[sflag:s5] =	ssyncadd.s32 @!p0 $0xFFFFEC00  }
0x3a: {  	[spmem:s3] =	stream.indirect.scatter.add.bf16 [tilespmem:s18], [sflag:$0x9], $0x40, s10, s17, $0xb8;
	[tilespmem:$0x19000] =	vst v63  }
0x3b: {  	s11 =	simm.s32 $0x140  }
0x3c: {  	[tilespmem:s25], [sflag:$0x5] =	stream.indirect.gather [hbm4b:s2+s17], $0x40, s11, s17, $0xb8;
	[tilespmem:$0x19000] =	vst v63  }
0x3d: {  	_ =	swait.ge [sflag:s26], $0x1400  }
0x3e: {  	[sflag:s26] =	ssyncset.done $0x0  }
0x3f: {  	[sflag:s26] =	ssyncadd.s32 $0xFFFFEC00  }
0x40: {  	_ =	swait.ge @!p0 [sflag:s5], $0x1400  }
0x41: {  	[sflag:s5] =	ssyncset.done @!p0 $0x0  }
0x42: {  	s9 =	simm.s32 $0x2850;
	[sflag:s5] =	ssyncadd.s32 @!p0 $0xFFFFEC00  }
0x43: {  	[spmem:s3] =	stream.indirect.scatter.add.bf16 [tilespmem:s19], [sflag:$0x9], $0x40, s9, s17, $0xb8;
	[tilespmem:$0x19000] =	vst v63  }
0x44: {  	s10 =	simm.s32 $0x190  }
0x45: {  	[tilespmem:s28], [sflag:$0x6] =	stream.indirect.gather [hbm4b:s2+s17], $0x40, s10, s17, $0xb8;
	[tilespmem:$0x19000] =	vst v63  }
0x46: {  	_ =	swait.ge [sflag:s29], $0x1400  }
0x47: {  	[sflag:s29] =	ssyncset.done $0x0  }
0x48: {  	[sflag:s29] =	ssyncadd.s32 $0xFFFFEC00  }
0x49: {  	_ =	swait.ge @!p0 [sflag:s5], $0x1400  }
0x4a: {  	[sflag:s5] =	ssyncset.done @!p0 $0x0  }
0x4b: {  	s11 =	simm.s32 $0x28A0;
	[sflag:s5] =	ssyncadd.s32 @!p0 $0xFFFFEC00  }
0x4c: {  	[spmem:s3] =	stream.indirect.scatter.add.bf16 [tilespmem:s21], [sflag:$0x9], $0x40, s11, s17, $0xb8;
	[tilespmem:$0x19000] =	vst v63  }
0x4d: {  	s9 =	simm.s32 $0x1E0  }
0x4e: {  	[tilespmem:s30], [sflag:$0x7] =	stream.indirect.gather [hbm4b:s2+s17], $0x40, s9, s17, $0xb8;
	[tilespmem:$0x19000] =	vst v63  }
0x4f: {  	_ =	swait.ge [sflag:s31], $0x1400  }
0x50: {  	[sflag:s31] =	ssyncset.done $0x0  }
0x51: {  	[sflag:s31] =	ssyncadd.s32 $0xFFFFEC00  }
0x52: {  	_ =	swait.ge @!p0 [sflag:s5], $0x1400  }
0x53: {  	[sflag:s5] =	ssyncset.done @!p0 $0x0  }
0x54: {  	s10 =	simm.s32 $0x28F0;
	[sflag:s5] =	ssyncadd.s32 @!p0 $0xFFFFEC00  }
0x55: {  	[spmem:s3] =	stream.indirect.scatter.add.bf16 [tilespmem:s23], [sflag:$0x9], $0x40, s10, s17, $0xb8;
	[tilespmem:$0x19000] =	vst v63  }
0x56: {  	s11 =	simm.s32 $0x230  }
0x57: {  	[tilespmem:s1], [sflag:$0x8] =	stream.indirect.gather [hbm4b:s2+s17], $0x40, s11, s17, $0xb8;
	[tilespmem:$0x19000] =	vst v63  }
0x58: {  	_ =	swait.ge [sflag:s0], $0x1400  }
0x59: {  	[sflag:s0] =	ssyncset.done $0x0  }
0x5a: {  	[sflag:s0] =	ssyncadd.s32 $0xFFFFEC00  }
0x5b: {  	s7 =	simm.s32 $0x8;
	_ =	swait.ge [sflag:s14], $0x1400  }
0x5c: {  	s5 =	sand.u32 $0x78, s7;
	[sflag:s14] =	ssyncset.done $0x0  }
0x5d: {  	s9 =	simm.s32 $0x2940;
	s5 =	smul.u32 $0x140, s5;
	[sflag:s14] =	ssyncadd.s32 $0xFFFFEC00  }
0x5e: {  	[spmem:s3] =	stream.indirect.scatter.add.bf16 [tilespmem:s25], [sflag:$0x9], $0x40, s9, s17, $0xb8;
	[tilespmem:$0x19000] =	vst v63  }
0x5f: {  	s5 =	sshrl.u32 s5, $0x2  }
0x60: {  	[tilespmem:s18], [sflag:$0x1] =	stream.indirect.gather [hbm4b:s2+s17], $0x40, s5, s17, $0xb8;
	[tilespmem:$0x19000] =	vst v63  }
0x61: {  	_ =	swait.ge [sflag:s15], $0x1400  }
0x62: {  	[sflag:s15] =	ssyncset.done $0x0  }
0x63: {  	[sflag:s15] =	ssyncadd.s32 $0xFFFFEC00  }
0x64: {  	s10 =	simm.s32 $0x9;
	_ =	swait.ge [sflag:s14], $0x1400  }
0x65: {  	s5 =	sand.u32 $0x79, s10;
	[sflag:s14] =	ssyncset.done $0x0  }
0x66: {  	s11 =	simm.s32 $0x2990;
	s5 =	smul.u32 $0x140, s5;
	[sflag:s14] =	ssyncadd.s32 $0xFFFFEC00  }
0x67: {  	[spmem:s3] =	stream.indirect.scatter.add.bf16 [tilespmem:s28], [sflag:$0x9], $0x40, s11, s17, $0xb8;
	[tilespmem:$0x19000] =	vst v63  }
0x68: {  	s5 =	sshrl.u32 s5, $0x2  }
0x69: {  	[tilespmem:s19], [sflag:$0x2] =	stream.indirect.gather [hbm4b:s2+s17], $0x40, s5, s17, $0xb8;
	[tilespmem:$0x19000] =	vst v63  }
0x6a: {  	_ =	swait.ge [sflag:s16], $0x1400  }
0x6b: {  	[sflag:s16] =	ssyncset.done $0x0  }
0x6c: {  	[sflag:s16] =	ssyncadd.s32 $0xFFFFEC00  }
0x6d: {  	s7 =	simm.s32 $0xA;
	_ =	swait.ge [sflag:s14], $0x1400  }
0x6e: {  	s5 =	sand.u32 $0x7A, s7;
	[sflag:s14] =	ssyncset.done $0x0  }
0x6f: {  	s9 =	simm.s32 $0x29E0;
	s5 =	smul.u32 $0x140, s5;
	[sflag:s14] =	ssyncadd.s32 $0xFFFFEC00  }
0x70: {  	[spmem:s3] =	stream.indirect.scatter.add.bf16 [tilespmem:s30], [sflag:$0x9], $0x40, s9, s17, $0xb8;
	[tilespmem:$0x19000] =	vst v63  }
0x71: {  	s5 =	sshrl.u32 s5, $0x2  }
0x72: {  	[tilespmem:s21], [sflag:$0x3] =	stream.indirect.gather [hbm4b:s2+s17], $0x40, s5, s17, $0xb8;
	[tilespmem:$0x19000] =	vst v63  }
0x73: {  	_ =	swait.ge [sflag:s20], $0x1400  }
0x74: {  	s10 =	simm.s32 $0xB;
	[sflag:s20] =	ssyncset.done $0x0  }
0x75: {  	s5 =	sand.u32 $0x7B, s10;
	[sflag:s20] =	ssyncadd.s32 $0xFFFFEC00  }
0x76: {  	s9 =	smul.u32 $0x140, s5;
	_ =	swait.ge [sflag:s14], $0x1400  }
0x77: {  	s11 =	simm.s32 $0x2A30;
	s7 =	simm.s32 $0x13;
	[sflag:s14] =	ssyncset.done $0x0  }
0x78: {  	s5 =	simm.s32 $0xA00;
	s9 =	sshrl.u32 s9, $0x2;
	[sflag:s14] =	ssyncadd.s32 $0xFFFFEC00  }
0x79: {  	[spmem:s3] =	stream.indirect.scatter.add.bf16 [tilespmem:s1], [sflag:$0x9], $0x40, s11, s17, $0xb8;
	[tilespmem:$0x19000] =	vst v63  }
.LBB2_2:
0x7a: {  	[tilespmem:s23], [sflag:$0x4] =	stream.indirect.gather [hbm4b:s2+s17], $0x40, s9, s17, $0xb8;
	[tilespmem:$0x19000] =	vst v63  }
0x7b: {  	s9 =	smov.u32 s5;
	s5 =	sadd.s32 $0xA00, s5;
	_ =	swait.ge [sflag:s24], $0x1400  }
0x7c: {  	p1 =	seq.s32 s9, $0x0;
	p0 =	sne.s32 s5, $0xA000;
	[sflag:s24] =	ssyncset.done $0x0  }
0x7d: {  	s10 =	simm.s32 @!p1 $0x9;
	[sflag:s24] =	ssyncadd.s32 $0xFFFFEC00  }
0x7e: {  	_ =	swait.ge @!p1 [sflag:s10], $0x1400  }
0x7f: {  	s9 =	sshra.s32 s9, $0x2;
	[sflag:s10] =	ssyncset.done @!p1 $0x0  }
0x80: {  	s11 =	sadd.s32 $0x2800, s9;
	[sflag:s10] =	ssyncadd.s32 @!p1 $0xFFFFEC00  }
0x81: {  	[spmem:s3] =	stream.indirect.scatter.add.bf16 [tilespmem:s18], [sflag:$0x9], $0x40, s11, s17, $0xb8;
	[tilespmem:$0x19000] =	vst v63  }
0x82: {  	s11 =	sadd.s32 $0x140, s9  }
0x83: {  	[tilespmem:s25], [sflag:$0x5] =	stream.indirect.gather [hbm4b:s2+s17], $0x40, s11, s17, $0xb8;
	[tilespmem:$0x19000] =	vst v63  }
0x84: {  	_ =	swait.ge [sflag:s26], $0x1400  }
0x85: {  	[sflag:s26] =	ssyncset.done $0x0  }
0x86: {  	[sflag:s26] =	ssyncadd.s32 $0xFFFFEC00  }
0x87: {  	_ =	swait.ge @!p1 [sflag:s10], $0x1400  }
0x88: {  	[sflag:s10] =	ssyncset.done @!p1 $0x0  }
0x89: {  	s11 =	sadd.s32 $0x2850, s9;
	[sflag:s10] =	ssyncadd.s32 @!p1 $0xFFFFEC00  }
0x8a: {  	[spmem:s3] =	stream.indirect.scatter.add.bf16 [tilespmem:s19], [sflag:$0x9], $0x40, s11, s17, $0xb8;
	[tilespmem:$0x19000] =	vst v63  }
0x8b: {  	s11 =	sadd.s32 $0x190, s9  }
0x8c: {  	[tilespmem:s28], [sflag:$0x6] =	stream.indirect.gather [hbm4b:s2+s17], $0x40, s11, s17, $0xb8;
	[tilespmem:$0x19000] =	vst v63  }
0x8d: {  	_ =	swait.ge [sflag:s29], $0x1400  }
0x8e: {  	[sflag:s29] =	ssyncset.done $0x0  }
0x8f: {  	[sflag:s29] =	ssyncadd.s32 $0xFFFFEC00  }
0x90: {  	_ =	swait.ge @!p1 [sflag:s10], $0x1400  }
0x91: {  	[sflag:s10] =	ssyncset.done @!p1 $0x0  }
0x92: {  	s11 =	sadd.s32 $0x28A0, s9;
	[sflag:s10] =	ssyncadd.s32 @!p1 $0xFFFFEC00  }
0x93: {  	[spmem:s3] =	stream.indirect.scatter.add.bf16 [tilespmem:s21], [sflag:$0x9], $0x40, s11, s17, $0xb8;
	[tilespmem:$0x19000] =	vst v63  }
0x94: {  	s11 =	sadd.s32 $0x1E0, s9  }
0x95: {  	[tilespmem:s30], [sflag:$0x7] =	stream.indirect.gather [hbm4b:s2+s17], $0x40, s11, s17, $0xb8;
	[tilespmem:$0x19000] =	vst v63  }
0x96: {  	_ =	swait.ge [sflag:s31], $0x1400  }
0x97: {  	[sflag:s31] =	ssyncset.done $0x0  }
0x98: {  	[sflag:s31] =	ssyncadd.s32 $0xFFFFEC00  }
0x99: {  	_ =	swait.ge @!p1 [sflag:s10], $0x1400  }
0x9a: {  	[sflag:s10] =	ssyncset.done @!p1 $0x0  }
0x9b: {  	[sflag:s10] =	ssyncadd.s32 @!p1 $0xFFFFEC00;
	s10 =	sadd.s32 $0x28F0, s9  }
0x9c: {  	[spmem:s3] =	stream.indirect.scatter.add.bf16 [tilespmem:s23], [sflag:$0x9], $0x40, s10, s17, $0xb8;
	[tilespmem:$0x19000] =	vst v63  }
0x9d: {  	s10 =	sadd.s32 $0x230, s9  }
0x9e: {  	[tilespmem:s1], [sflag:$0x8] =	stream.indirect.gather [hbm4b:s2+s17], $0x40, s10, s17, $0xb8;
	[tilespmem:$0x19000] =	vst v63  }
0x9f: {  	_ =	swait.ge [sflag:s0], $0x1400  }
0xa0: {  	[sflag:s0] =	ssyncset.done $0x0  }
0xa1: {  	[sflag:s0] =	ssyncadd.s32 $0xFFFFEC00  }
0xa2: {  	s10 =	sadd.s32 $0xFFFFFFFD, s7;
	_ =	swait.ge [sflag:s14], $0x1400  }
0xa3: {  	s10 =	sand.u32 $0x78, s10;
	[sflag:s14] =	ssyncset.done $0x0  }
0xa4: {  	s11 =	sadd.s32 $0x2940, s9;
	s10 =	smul.u32 $0x140, s10;
	[sflag:s14] =	ssyncadd.s32 $0xFFFFEC00  }
0xa5: {  	[spmem:s3] =	stream.indirect.scatter.add.bf16 [tilespmem:s25], [sflag:$0x9], $0x40, s11, s17, $0xb8;
	[tilespmem:$0x19000] =	vst v63  }
0xa6: {  	s10 =	sshrl.u32 s10, $0x2  }
0xa7: {  	[tilespmem:s18], [sflag:$0x1] =	stream.indirect.gather [hbm4b:s2+s17], $0x40, s10, s17, $0xb8;
	[tilespmem:$0x19000] =	vst v63  }
0xa8: {  	_ =	swait.ge [sflag:s15], $0x1400  }
0xa9: {  	[sflag:s15] =	ssyncset.done $0x0  }
0xaa: {  	[sflag:s15] =	ssyncadd.s32 $0xFFFFEC00  }
0xab: {  	s10 =	sadd.s32 $0xFFFFFFFE, s7;
	_ =	swait.ge [sflag:s14], $0x1400  }
0xac: {  	s10 =	sand.u32 $0x79, s10;
	[sflag:s14] =	ssyncset.done $0x0  }
0xad: {  	s11 =	sadd.s32 $0x2990, s9;
	s10 =	smul.u32 $0x140, s10;
	[sflag:s14] =	ssyncadd.s32 $0xFFFFEC00  }
0xae: {  	[spmem:s3] =	stream.indirect.scatter.add.bf16 [tilespmem:s28], [sflag:$0x9], $0x40, s11, s17, $0xb8;
	[tilespmem:$0x19000] =	vst v63  }
0xaf: {  	s10 =	sshrl.u32 s10, $0x2  }
0xb0: {  	[tilespmem:s19], [sflag:$0x2] =	stream.indirect.gather [hbm4b:s2+s17], $0x40, s10, s17, $0xb8;
	[tilespmem:$0x19000] =	vst v63  }
0xb1: {  	_ =	swait.ge [sflag:s16], $0x1400  }
0xb2: {  	[sflag:s16] =	ssyncset.done $0x0  }
0xb3: {  	[sflag:s16] =	ssyncadd.s32 $0xFFFFEC00  }
0xb4: {  	s10 =	sadd.s32 $0xFFFFFFFF, s7;
	_ =	swait.ge [sflag:s14], $0x1400  }
0xb5: {  	s10 =	sand.u32 $0x7A, s10;
	[sflag:s14] =	ssyncset.done $0x0  }
0xb6: {  	s11 =	sadd.s32 $0x29E0, s9;
	s10 =	smul.u32 $0x140, s10;
	[sflag:s14] =	ssyncadd.s32 $0xFFFFEC00  }
0xb7: {  	[spmem:s3] =	stream.indirect.scatter.add.bf16 [tilespmem:s30], [sflag:$0x9], $0x40, s11, s17, $0xb8;
	[tilespmem:$0x19000] =	vst v63  }
0xb8: {  	s10 =	sshrl.u32 s10, $0x2  }
0xb9: {  	[tilespmem:s21], [sflag:$0x3] =	stream.indirect.gather [hbm4b:s2+s17], $0x40, s10, s17, $0xb8;
	[tilespmem:$0x19000] =	vst v63  }
0xba: {  	_ =	swait.ge [sflag:s20], $0x1400  }
0xbb: {  	[sflag:s20] =	ssyncset.done $0x0  }
0xbc: {  	[sflag:s20] =	ssyncadd.s32 $0xFFFFEC00  }
.Ltmp0:
0xbd: {  	_ =	swait.ge [sflag:s14], $0x1400;
	(pc) =	sbr.rel @p0 .LBB2_2-.Ltmp0, $4  }
0xbe: {  	s10 =	sand.u32 $0x7B, s7;
	[sflag:s14] =	ssyncset.done $0x0  }
0xbf: {  	s9 =	sadd.s32 $0x2A30, s9;
	s10 =	smul.u32 $0x140, s10;
	[sflag:s14] =	ssyncadd.s32 $0xFFFFEC00  }
0xc0: {  	[spmem:s3] =	stream.indirect.scatter.add.bf16 [tilespmem:s1], [sflag:$0x9], $0x40, s9, s17, $0xb8;
	[tilespmem:$0x19000] =	vst v63  }
0xc1: {  	s7 =	sadd.s32 $0x8, s7;
	s9 =	sshrl.u32 s10, $0x2  }
0xc2: {  	[tilespmem:s23], [sflag:$0x4] =	stream.indirect.gather [hbm4b:s2+s17], $0x40, s9, s17, $0xb8;
	[tilespmem:$0x19000] =	vst v63  }
0xc3: {  	_ =	swait.ge [sflag:s14], $0x1400  }
0xc4: {  	[sflag:s14] =	ssyncset.done $0x0  }
0xc5: {  	[sflag:s14] =	ssyncadd.s32 $0xFFFFEC00  }
0xc6: {  	_ =	swait.ge [sflag:s14], $0x1400  }
0xc7: {  	[sflag:s14] =	ssyncset.done $0x0  }
0xc8: {  	[sflag:s14] =	ssyncadd.s32 $0xFFFFEC00  }
0xc9: {  	_ =	swait.ge [sflag:s14], $0x1400  }
0xca: {  	[sflag:s14] =	ssyncset.done $0x0  }
0xcb: {  	[sflag:s14] =	ssyncadd.s32 $0xFFFFEC00  }
0xcc: {  	_ =	swait.ge [sflag:s14], $0x1400  }
0xcd: {  	[sflag:s14] =	ssyncset.done $0x0  }
0xce: {  	[sflag:s14] =	ssyncadd.s32 $0xFFFFEC00  }
0xcf: {  	_ =	swait.ge [sflag:s24], $0x1400  }
0xd0: {  	[sflag:s24] =	ssyncset.done $0x0  }
0xd1: {  	[sflag:s24] =	ssyncadd.s32 $0xFFFFEC00  }
0xd2: {  	_ =	swait.ge [sflag:s26], $0x1400  }
0xd3: {  	[sflag:s26] =	ssyncset.done $0x0  }
0xd4: {  	[sflag:s26] =	ssyncadd.s32 $0xFFFFEC00  }
0xd5: {  	_ =	swait.ge [sflag:s29], $0x1400  }
0xd6: {  	[sflag:s29] =	ssyncset.done $0x0  }
0xd7: {  	[sflag:s29] =	ssyncadd.s32 $0xFFFFEC00  }
0xd8: {  	_ =	swait.ge [sflag:s31], $0x1400  }
0xd9: {  	[sflag:s31] =	ssyncset.done $0x0  }
0xda: {  	[sflag:s31] =	ssyncadd.s32 $0xFFFFEC00  }
0xdb: {  	[bflag:$0x0] =	sbarrier.arrive $0xFFFF  }
0xdc: {  	s5 =	rddreg [dreg:$0x7]  }
0xdd: {  	[hbm:s5], [sflag:s6] =	dma.local [spmem:s12], $0x1400  }
0xde: {  	_ =	swait.ge [sflag:s13], $0x1400  }
0xdf: {  	s22 =	sadd.s32 $0x1, s22;
	s11 =	rddreg [dreg:$0x8]  }
0xe0: {  	p0 =	sne.s32 s22, s11  }
.Ltmp1:
0xe1: {  	_ = 	snop;
	(pc) =	sbr.rel @p0 .LBB2_1-.Ltmp1, $3  }
0xe2: {  	_ =	sdelay $0x1  }
0xe3: {  	[sflag:s13] =	ssyncset.done $0x0  }
0xe4: {  	[sflag:s13] =	ssyncadd.s32 $0xFFFFEC00  }
0xe5: {  	_ =	sfence.sel $0x180000  }
0xe6: {  	[bflag:$0x0] =	sbarrier.arrive $0xFFFF  }
0xe7: {  	_ =	strace $0x9000004A  }
0xe8: {  	s0 =	stileid.u32;
	[bflag:$0x2] =	sbarrier.arrive $0xFFFF  }
0xe9: {  	p0 =	sne.s32 s0, $0x0;
	s0 =	rddreg [dreg:$0x3]  }
0xea: {  	s0 =	sadd.s32 @!p0 $0x100000, s0  }
0xeb: {  	[sflag:s0] =	ssyncadd.tile.s32 @!p0 $0x1;
	_ =	shalt  }
.Lfunc_end2:
_tile_overlayer_lowered:
.L_overlay_start_2:
0xec: {  	(tag) =	ssettag $0x2  }
0xed: {  	s0 =	rddreg [dreg:$0x0];
	s2 =	stileid.u32  }
0xee: {  	s1 =	rddreg [dreg:$0x1];
	p0 =	sne.s32 s2, $0x0  }
0xef: {  	s3 =	rddreg [dreg:$0x2];
	[bflag:$0x3] =	sbarrier.arrive $0xFFFF;
	s2 =	simm.s32 @!p0 $0x1C0A  }
0xf0: {  	[timem:s3], [sflag:s2] =	dma.local @!p0 [hbm:s0], s1  }
0xf1: {  	s0 =	simm.s32 @!p0 $0xA  }
0xf2: {  	_ =	swait.ge @!p0 [sflag:s0], s1  }
0xf3: {  	s1 =	ssub.s32 @!p0 $0x0, s1;
	[sflag:s0] =	ssyncset.done @!p0 $0x0  }
0xf4: {  	[sflag:s0] =	ssyncadd.s32 @!p0 s1  }
0xf5: {  	[bflag:$0x3] =	sbarrier.arrive $0xFFFF  }
0xf6: {  	_ =	shalt  }

// kernel: kernel.7.cloned.1.call-start
scs
__scs_entry_jumppad:
0x0: {  	(pc) =	sbr.rel $0x88, $3  }
0x1: {  	(tag) =	ssettag $0x0;
	lr =	simm.s32 $0x1  }
0x2: {  	[smem:$0x3F9A] =	sst lr;
	_ =	strace $0xD0000000  }
0x3: {  	_ = 	snop  }
0x4: {  	_ = 	snop  }
0x5: {  	_ = 	snop  }
0x6: {  	_ = 	snop  }
0x7: {  	_ = 	snop  }
__scs_overlays_trampoline_lowered:
0x8: {  	[smem:$0x3FA9] =	sst s0  }
0x9: {  	[smem:$0x3FAA] =	sst s1  }
0xa: {  	[smem:$0x3FAB] =	sst s2  }
0xb: {  	[smem:$0x3FAC] =	sst s3  }
0xc: {  	[smem:$0x3FAD] =	sst s4  }
0xd: {  	[smem:$0x3FAE] =	sst s5  }
0xe: {  	[smem:$0x3FAF] =	sst s6  }
0xf: {  	[smem:$0x3FB0] =	sst s7  }
0x10: {  	[smem:$0x3FB1] =	sst s8  }
0x11: {  	[smem:$0x3FB2] =	sst s9;
	s0 =	simm.s32 @!p0 $0x0  }
0x12: {  	s1 =	sld [smem:$0x3F98];
	s0 =	simm.s32 @p0 $0x1  }
0x13: {  	[smem:$0x3FB3] =	sst s0;
	s0 =	simm.s32 @!p1 $0x0  }
0x14: {  	s2 =	sld [smem:$0x3F97];
	s0 =	simm.s32 @p1 $0x1  }
0x15: {  	[smem:$0x3FB4] =	sst s0;
	s0 =	simm.s32 @!p2 $0x0  }
0x16: {  	s3 =	sld [smem:$0x3FDB];
	s0 =	simm.s32 @p2 $0x1  }
0x17: {  	s4 =	simm.s32 $0x1BF5;
	[smem:$0x3FB6] =	sst s0  }
0x18: {  	s0 =	sld [smem:$0x3F99];
	_ =	swait.ge [sflag:s4], $0x0  }
0x19: {  	s7 =	sld [smem:$0x3F9A]  }
0x1a: {  	s8 =	sadd.s32 $0xFFFFE003, lr  }
0x1b: {  	s9 =	sadd.s32 $0xFFFFFEF7, lr;
	s5 =	simm.s32 $0xFFFFFFFF;
	p2 =	slt.u32 s8, $0xFFFFF086  }
0x1c: {  	p1 =	slt.u32 s9, $0xF7A;
	s5 =	simm.s32 @!p2 $0x0  }
0x1d: {  	s5 =	simm.s32 @p1 $0x1;
	p0 =	seq.s32 s7, s2  }
0x1e: {  	s7 =	smul.u32 @!p0 $0xF7A, s2;
	p2 =	seq.s32 @!p0 s5, $0x0  }
0x1f: {  	s9 =	smul.u32 $0xF7A, s1;
	s8 =	simm.s32 @!p0 $0x1BF5;
	p2 =	por !p2, p0  }
0x20: {  	[sflag:s8] =	ssyncset.s32 @!p0 $0xFFFFF086;
	s6 =	sadd.s32 @!p0 s3, s7;
	s7 =	simm.s32 @!p0 $0x108  }
0x21: {  	s3 =	sadd.s32 s3, s9;
	s6 =	sadd.s32 @!p0 $0x88, s6;
	s7 =	simm.s32 @p2 $0x1082  }
0x22: {  	[simem:s7], [sflag:s8] =	dma.local @!p0 [hbm:s6], $0xF7A  }
0x23: {  	s9 =	sor.u32 $0xD0000000, s2;
	s6 =	simm.s32 $0x108;
	_ =	swait.ge @!p0 [sflag:s8], $0x0  }
0x24: {  	s3 =	sadd.s32 $0x88, s3;
	s6 =	simm.s32 @!p1 $0x1082;
	[sflag:s4] =	ssyncset.s32 $0xFFFFF086  }
0x25: {  	[simem:s6], [sflag:s4] =	dma.local [hbm:s3], $0xF7A  }
0x26: {  	[smem:$0x3F9A] =	sst s1;
	(tag) =	ssettag s2;
	_ =	strace s9  }
0x27: {  	s1 =	sld [smem:$0x3FAA]  }
0x28: {  	s2 =	sld [smem:$0x3FAB]  }
0x29: {  	s4 =	sld [smem:$0x3FAD]  }
0x2a: {  	p0 =	seq.s32 s5, $0x0;
	s5 =	sld [smem:$0x3FAE]  }
0x2b: {  	s6 =	sld [smem:$0x3FAF]  }
0x2c: {  	s7 =	sld [smem:$0x3FB0]  }
0x2d: {  	s3 =	simm.s32 $0x108;
	s8 =	sld [smem:$0x3FB1]  }
0x2e: {  	s3 =	simm.s32 @!p0 $0x1082;
	s9 =	sld [smem:$0x3FB2]  }
0x2f: {  	lr =	sadd.s32 s0, s3;
	s0 =	sld [smem:$0x3FA9]  }
0x30: {  	s3 =	sld [smem:$0x3FAC]  }
0x31: {  	[smem:$0x3FB5] =	sst s10  }
0x32: {  	s10 =	sld [smem:$0x3FB3];
	_ =	sdelay $0x3  }
0x33: {  	p0 =	seq.s32 s10, $0x1;
	s10 =	sld [smem:$0x3FB5];
	_ =	sdelay $0x3  }
0x34: {  	[smem:$0x3FB5] =	sst s10  }
0x35: {  	s10 =	sld [smem:$0x3FB4];
	_ =	sdelay $0x3  }
0x36: {  	p1 =	seq.s32 s10, $0x1;
	s10 =	sld [smem:$0x3FB5];
	_ =	sdelay $0x3  }
0x37: {  	[smem:$0x3FB5] =	sst s10  }
0x38: {  	s10 =	sld [smem:$0x3FB6]  }
0x39: {  	_ = 	snop;
	(pc) =	sbr.ind lr, $3  }
0x3a: {  	_ = 	snop  }
0x3b: {  	_ = 	snop  }
0x3c: {  	p2 =	seq.s32 s10, $0x1;
	s10 =	sld [smem:$0x3FB5]  }
0x3d: {  	_ =	shalt  }
0x3e: {  	_ =	shalt  }
0x3f: {  	_ =	shalt  }
0x40: {  	_ =	shalt  }
0x41: {  	_ =	shalt  }
0x42: {  	_ =	shalt  }
0x43: {  	_ =	shalt  }
0x44: {  	_ =	shalt  }
0x45: {  	_ =	shalt  }
0x46: {  	_ =	shalt  }
0x47: {  	_ =	shalt  }
0x48: {  	_ =	shalt  }
0x49: {  	_ =	shalt  }
0x4a: {  	_ =	shalt  }
0x4b: {  	_ =	shalt  }
0x4c: {  	_ =	shalt  }
0x4d: {  	_ =	shalt  }
0x4e: {  	_ =	shalt  }
0x4f: {  	_ =	shalt  }
0x50: {  	_ =	shalt  }
0x51: {  	_ =	shalt  }
0x52: {  	_ =	shalt  }
0x53: {  	_ =	shalt  }
0x54: {  	_ =	shalt  }
0x55: {  	_ =	shalt  }
0x56: {  	_ =	shalt  }
0x57: {  	_ =	shalt  }
0x58: {  	_ =	shalt  }
0x59: {  	_ =	shalt  }
0x5a: {  	_ =	shalt  }
0x5b: {  	_ =	shalt  }
0x5c: {  	_ =	shalt  }
0x5d: {  	_ =	shalt  }
0x5e: {  	_ =	shalt  }
0x5f: {  	_ =	shalt  }
0x60: {  	_ =	shalt  }
0x61: {  	_ =	shalt  }
0x62: {  	_ =	shalt  }
0x63: {  	_ =	shalt  }
0x64: {  	_ =	shalt  }
0x65: {  	_ =	shalt  }
0x66: {  	_ =	shalt  }
0x67: {  	_ =	shalt  }
0x68: {  	_ =	shalt  }
0x69: {  	_ =	shalt  }
0x6a: {  	_ =	shalt  }
0x6b: {  	_ =	shalt  }
0x6c: {  	_ =	shalt  }
0x6d: {  	_ =	shalt  }
0x6e: {  	_ =	shalt  }
0x6f: {  	_ =	shalt  }
0x70: {  	_ =	shalt  }
0x71: {  	_ =	shalt  }
0x72: {  	_ =	shalt  }
0x73: {  	_ =	shalt  }
0x74: {  	_ =	shalt  }
0x75: {  	_ =	shalt  }
0x76: {  	_ =	shalt  }
0x77: {  	_ =	shalt  }
0x78: {  	_ =	shalt  }
0x79: {  	_ =	shalt  }
0x7a: {  	_ =	shalt  }
0x7b: {  	_ =	shalt  }
0x7c: {  	_ =	shalt  }
0x7d: {  	_ =	shalt  }
0x7e: {  	_ =	shalt  }
0x7f: {  	_ =	shalt  }
0x80: {  	_ =	shalt  }
0x81: {  	_ =	shalt  }
0x82: {  	_ =	shalt  }
0x83: {  	_ =	shalt  }
0x84: {  	_ =	shalt  }
0x85: {  	_ =	shalt  }
0x86: {  	_ =	shalt  }
0x87: {  	_ =	shalt  }
.Lfunc_end0:
.L_simem_size_0:
called_computation_lowered:
.L_overlay_start_0:
0x88: {  	s2 =	sld [smem:$0x3FD9]  }
0x89: {  	s3 =	sld [smem:$0x3FFE];
	_ =	sdelay $0x1  }
0x8a: {  	s1 =	srdreg.scid  }
0x8b: {  	s0 =	sand.u32 $0x1, s1  }
0x8c: {  	s17 =	sshll.u32 s0, $0xA;
	s2 =	sadd.s32 s3, s2  }
0x8d: {  	s2 =	sadd.s32 s2, s17  }
0x8e: {  	[smem:$0x3FC1] =	sst s2  }
0x8f: {  	_ = 	snop  }
0x90: {  	s2 =	sld [smem:$0x3FD0];
	(tm) =	ssettm $0x1  }
0x91: {  	s18 =	sld [smem:$0x3FFB];
	_ =	sdelay $0x3  }
0x92: {  	_ =	strace s18  }
0x93: {  	s3 =	sld [smem:$0x3FFC];
	_ =	sdelay $0x3  }
0x94: {  	_ =	strace s3  }
0x95: {  	s3 =	sld [smem:$0x3FFD];
	_ =	sdelay $0x3  }
0x96: {  	_ =	strace s3  }
0x97: {  	_ =	strace $0x8FFFFFFF  }
0x98: {  	s19 =	sld [smem:$0x3FDB];
	_ =	sdelay $0x1  }
0x99: {  	s4 =	simm.s32 $_scs_section_size  }
0x9a: {  	s5 =	simm.s32 $_size__tile_overlayer_lowered;
	s6 =	simm.s32 $_tile_overlayer_lowered  }
0x9b: {  	s22 =	simm.s32 $0x1BFF;
	s21 =	sshll.u32 s6, $0x1;
	s3 =	sadd.s32 s4, s19  }
0x9c: {  	s7 =	simm.s32 $0x0;
	s20 =	sshll.u32 s5, $0x1;
	s5 =	sadd.s32 s21, s3  }
0x9d: {  	[timem:s7], [sflag:s22] =	dma.local [hbm:s5], s20  }
0x9e: {  	_ =	swait.ge [sflag:s22], s20  }
0x9f: {  	s4 =	ssub.s32 $0x0, s20;
	[sflag:s22] =	ssyncset.done $0x0  }
0xa0: {  	[sflag:s22] =	ssyncadd.s32 s4;
	_ =	sdelay $0x1  }
0xa1: {  	s23 =	simm.s32 $0x1B8B  }
0xa2: {  	_ =	swait.ge [sflag:s23], $0x1  }
0xa3: {  	[sflag:s23] =	ssyncset.done $0x0  }
0xa4: {  	s25 =	simm.s32 $0x1B8E;
	s24 =	sld [smem:$0x3FFE];
	[sflag:s23] =	ssyncadd.s32 $0xFFFFFFFF  }
0xa5: {  	s26 =	simm.s32 $execute0_lowered;
	[smem:$0x3FD2] =	sst s25  }
0xa6: {  	s5 =	sshll.u32 s26, $0x1;
	_ =	strace $0x80000046;
	[dreg:$0x1] =	wrdreg $0xFFFFFFFF  }
0xa7: {  	s28 =	simm.s32 $_size_execute0_lowered;
	s3 =	sadd.s32 s3, s5;
	[dreg:$0x0] =	wrdreg $0x0  }
0xa8: {  	s5 =	sshll.u32 s28, $0x1;
	[dreg:$0x2] =	wrdreg s3  }
0xa9: {  	[dreg:$0x3] =	wrdreg s5  }
0xaa: {  	[dreg:$0x4] =	wrdreg $0xC0  }
0xab: {  	_ =	task [dreg:s7], $0x5FFFF  }
0xac: {  	[dreg:$0x1] =	wrdreg $0xFFFFFFFF  }
0xad: {  	[dreg:$0x0] =	wrdreg $0x60  }
0xae: {  	[dreg:$0x2] =	wrdreg s24  }
0xaf: {  	[dreg:$0x3] =	wrdreg s2  }
0xb0: {  	[dreg:$0x4] =	wrdreg $0x2AD00  }
0xb1: {  	[dreg:$0x5] =	wrdreg $0x9  }
0xb2: {  	_ =	task.clear_ibuf [dreg:s7], $0x6FFFF;
	_ =	strace $0x90000046  }
0xb3: {  	s29 =	simm.s32 $0x9;
	_ =	strace $0x80000048  }
0xb4: {  	_ =	swait.ge [sflag:s29], $0x1  }
0xb5: {  	[sflag:s29] =	ssyncadd.s32 $0xFFFFFFFF  }
0xb6: {  	_ =	strace $0x90000048  }
0xb7: {  	_ =	sfence  }
0xb8: {  	s30 =	sld [smem:$0x0];
	_ =	sdelay $0x2  }
0xb9: {  	s31 =	sshll.u32 s1, $0xD;
	s1 =	sshrl.u32 s1, $0x2  }
0xba: {  	s3 =	sand.u32 $0x4000, s31;
	s1 =	sadd.s32 s1, s30  }
0xbb: {  	s0 =	sor.u32 s3, s0;
	s1 =	sshll.u32 s1, $0x11  }
0xbc: {  	s0 =	sor.u32 s1, s0  }
0xbd: {  	s0 =	sadd.s32 $0x8F2B, s0  }
0xbe: {  	[sflag:s0] =	ssyncadd.remote.s32 $0x1  }
0xbf: {  	_ =	sfence.sel $0xFFFF  }
0xc0: {  	[dreg:$0x0] =	wrdreg $0xFFFFFFFF;
	(pc) =	sbr.abs _section_cstart, $3  }
0xc1: {  	[dreg:$0x1] =	wrdreg $0xFFFFFFFF  }
0xc2: {  	_ =	task.clear_ibuf [dreg:s7], $0x2FFFF;
	_ =	strace $0x9FFFFFFF  }
0xc3: {  	(tm) =	ssettm $0x7FFFFFFF  }
tec
execute0_lowered:
.L_overlay_start_1:
0x0: {  	(tag) =	ssettag $0x1  }
0x1: {  	s5 =	rddreg [dreg:$0x0]  }
0x2: {  	s0 =	srdreg.scid;
	s7 =	rddreg [dreg:$0x1]  }
0x3: {  	s2 =	rddreg [dreg:$0x2];
	s3 =	simm.s32 $0x0;
	s13 =	simm.s32 $0x2800  }
0x4: {  	s14 =	simm.s32 $0x1;
	s4 =	sand.u32 $0x1, s0;
	s0 =	stileid.u32  }
0x5: {  	s17 =	simm.s32 $0x0;
	[smem:$0x7FF] =	sst s3;
	s9 =	smul.u32 $0x280, s0  }
0x6: {  	s1 =	sshll.u32 s4, $0x4;
	s10 =	ssub.s32 $0x2, s4;
	s12 =	smul.u32 $0x2800, s4  }
0x7: {  	s15 =	sshll.u32 s0, $0x6;
	s6 =	sor.u32 s0, s1;
	s1 =	rddreg [dreg:$0x3]  }
0x8: {  	_ =	strace $0x80000047;
	s11 =	sshrl.u32 s10, $0x1;
	s8 =	smul.u32 $0x1E, s6  }
0x9: {  	s15 =	sor.u32 $0x1C02, s15;
	s6 =	smul.u32 $0x2710, s6;
	s10 =	ssub.s32 s10, s11  }
0xa: {  	s4 =	sadd.s32 s9, s2;
	s9 =	sadd.s32 s9, s12;
	s11 =	simm.s32 $0x2710  }
0xb: {  	s12 =	simm.s32 $0x50;
	s31 =	sshrl.u32 s9, $0x3;
	s9 =	simm.s32 $0x2850  }
0xc: {  	s16 =	sshrl.u32 s4, $0x3;
	s8 =	sadd.s32 s8, s5;
	s6 =	sshrl.u32 s6, $0x3  }
0xd: {  	s7 =	sadd.s32 s7, s31;
	s5 =	sadd.s32 s5, s6;
	s6 =	sadd.s32 $0x1400, s8  }
0xe: {  	v0 =	vimm.f32 $1.000000000e+00;
	v1 =	vimm.f32 $0.0e+00;
	s8 =	smax.u32 s10, $0x1;
	s10 =	simm.s32 $0x2;
	s5 =	sadd.s32 $0xB440, s5  }
.LBB2_1:
0xf: {  	[tilespmem:$0x2800] =	vst v0  }
0x10: {  	[tilespmem:$0x2810] =	vst v0  }
0x11: {  	[tilespmem:$0x2820] =	vst v0  }
0x12: {  	[tilespmem:$0x2830] =	vst v0  }
0x13: {  	[tilespmem:$0x2840] =	vst v0  }
0x14: {  	[tilespmem:$0x2850] =	vst v1  }
0x15: {  	[tilespmem:$0x2860] =	vst v1  }
0x16: {  	[tilespmem:$0x2870] =	vst v1  }
0x17: {  	[tilespmem:$0x2880] =	vst v1  }
0x18: {  	[tilespmem:$0x2890] =	vst v1  }
0x19: {  	[tilespmem:$0x28A0] =	vst v1  }
0x1a: {  	[tilespmem:$0x28B0] =	vst v1  }
0x1b: {  	[tilespmem:$0x28C0] =	vst v1  }
0x1c: {  	[tilespmem:$0x28D0] =	vst v1  }
0x1d: {  	[tilespmem:$0x28E0] =	vst v1  }
0x1e: {  	[tilespmem:$0x28F0] =	vst v1  }
0x1f: {  	[tilespmem:$0x2900] =	vst v1  }
0x20: {  	[tilespmem:$0x2910] =	vst v1  }
0x21: {  	[tilespmem:$0x2920] =	vst v1  }
0x22: {  	[tilespmem:$0x2930] =	vst v1  }
0x23: {  	[tilespmem:$0x2940] =	vst v1  }
0x24: {  	[tilespmem:$0x2950] =	vst v1  }
0x25: {  	[tilespmem:$0x2960] =	vst v1  }
0x26: {  	[tilespmem:$0x2970] =	vst v1  }
0x27: {  	[tilespmem:$0x2980] =	vst v1  }
0x28: {  	[tilespmem:$0x2990] =	vst v1  }
0x29: {  	[tilespmem:$0x29A0] =	vst v1  }
0x2a: {  	[tilespmem:$0x29B0] =	vst v1  }
0x2b: {  	[tilespmem:$0x29C0] =	vst v1  }
0x2c: {  	[tilespmem:$0x29D0] =	vst v1  }
0x2d: {  	[tilespmem:$0x29E0] =	vst v1  }
0x2e: {  	[tilespmem:$0x29F0] =	vst v1  }
0x2f: {  	[tilespmem:$0x2A00] =	vst v1  }
0x30: {  	[tilespmem:$0x2A10] =	vst v1  }
0x31: {  	[tilespmem:$0x2A20] =	vst v1  }
0x32: {  	[tilespmem:$0x2A30] =	vst v1  }
0x33: {  	[tilespmem:$0x2A40] =	vst v1  }
0x34: {  	[tilespmem:$0x2A50] =	vst v1  }
0x35: {  	[tilespmem:$0x2A60] =	vst v1  }
0x36: {  	[tilespmem:$0x2A70] =	vst v1  }
0x37: {  	[tilespmem:$0x2A80] =	vst v1  }
0x38: {  	[tilespmem:$0x2A90] =	vst v1  }
0x39: {  	[tilespmem:$0x2AA0] =	vst v1  }
0x3a: {  	[tilespmem:$0x2AB0] =	vst v1  }
0x3b: {  	[tilespmem:$0x2AC0] =	vst v1  }
0x3c: {  	[spmem:s4] =	stream.linear.scatter [tilespmem:s9], [sflag:$0x2], $0x280, $0x38;
	[tilespmem:$0x2D50] =	vst v63  }
0x3d: {  	_ =	swait.ge [sflag:s10], $0x280  }
0x3e: {  	[sflag:s10] =	ssyncset.done $0x0  }
0x3f: {  	[sflag:s10] =	ssyncadd.s32 $0xFFFFFD80  }
0x40: {  	[tilespmem:s3], [sflag:$0x2] =	stream.linear.gather [hbm4b:s5+s3], $0x2710, $0x38;
	[tilespmem:$0x2D50] =	vst v63  }
0x41: {  	_ =	swait.ge [sflag:s10], $0x2710  }
0x42: {  	[sflag:s10] =	ssyncset.done $0x0  }
0x43: {  	[sflag:s10] =	ssyncadd.s32 $0xFFFFD8F0  }
0x44: {  	[tilespmem:s11], [sflag:$0x2] =	stream.linear.gather [hbm4b:s6+s3], $0xF0, $0x38;
	[tilespmem:$0x2D50] =	vst v63  }
0x45: {  	_ =	swait.ge [sflag:s10], $0xF0  }
0x46: {  	[sflag:s10] =	ssyncset.done $0x0  }
0x47: {  	p0 =	por $0x1, $0x1;
	[sflag:s10] =	ssyncadd.s32 $0xFFFFFF10  }
0x48: {  	s20 =	simm.s32 @!p0 $0x1;
	[bflag:$0x0] =	sbarrier.arrive $0xFFFF  }
0x49: {  	[spmem:s2] =	stream.indirect.scatter.add.f32 [tilespmem:s13], [sflag:$0x1], $0x1, s3, s12, $0xb8;
	[tilespmem:$0x2D50] =	vst v63  }
0x4a: {  	_ =	swait.ge @!p0 [sflag:s20], $0x50  }
0x4b: {  	s18 =	simm.s32 $0x1;
	s19 =	simm.s32 $0x0;
	[sflag:s20] =	ssyncset.done @!p0 $0x0  }
.LBB2_2:
0x4c: {  	[sflag:s20] =	ssyncadd.s32 @!p0 $0xFFFFFFB0  }
0x4d: {  	s19 =	sadd.s32 $0x50, s19;
	s20 =	smov.u32 s18;
	s18 =	sadd.s32 $0x1, s18  }
0x4e: {  	p1 =	sne.s32 s18, $0x80  }
0x4f: {  	[spmem:s2] =	stream.indirect.scatter.add.f32 [tilespmem:s13], [sflag:$0x1], $0x1, s19, s12, $0xb8;
	[tilespmem:$0x2D50] =	vst v63  }
.Ltmp0:
0x50: {  	_ = 	snop;
	(pc) =	sbr.rel @p1 .LBB2_2-.Ltmp0, $4  }
0x51: {  	p0 =	slt.u32 s20, $0x8  }
0x52: {  	s20 =	simm.s32 @!p0 $0x1  }
0x53: {  	_ =	swait.ge @!p0 [sflag:s20], $0x50  }
0x54: {  	[sflag:s20] =	ssyncset.done @!p0 $0x0  }
0x55: {  	[sflag:s20] =	ssyncadd.s32 @!p0 $0xFFFFFFB0  }
0x56: {  	_ =	swait.ge [sflag:s14], $0x50  }
0x57: {  	[sflag:s14] =	ssyncset.done $0x0  }
0x58: {  	[sflag:s14] =	ssyncadd.s32 $0xFFFFFFB0  }
0x59: {  	_ =	swait.ge [sflag:s14], $0x50  }
0x5a: {  	[sflag:s14] =	ssyncset.done $0x0  }
0x5b: {  	[sflag:s14] =	ssyncadd.s32 $0xFFFFFFB0  }
0x5c: {  	_ =	swait.ge [sflag:s14], $0x50  }
0x5d: {  	[sflag:s14] =	ssyncset.done $0x0  }
0x5e: {  	[sflag:s14] =	ssyncadd.s32 $0xFFFFFFB0  }
0x5f: {  	_ =	swait.ge [sflag:s14], $0x50  }
0x60: {  	[sflag:s14] =	ssyncset.done $0x0  }
0x61: {  	[sflag:s14] =	ssyncadd.s32 $0xFFFFFFB0  }
0x62: {  	_ =	swait.ge [sflag:s14], $0x50  }
0x63: {  	[sflag:s14] =	ssyncset.done $0x0  }
0x64: {  	[sflag:s14] =	ssyncadd.s32 $0xFFFFFFB0  }
0x65: {  	_ =	swait.ge [sflag:s14], $0x50  }
0x66: {  	[sflag:s14] =	ssyncset.done $0x0  }
0x67: {  	[sflag:s14] =	ssyncadd.s32 $0xFFFFFFB0  }
0x68: {  	_ =	swait.ge [sflag:s14], $0x50  }
0x69: {  	[sflag:s14] =	ssyncset.done $0x0  }
0x6a: {  	[sflag:s14] =	ssyncadd.s32 $0xFFFFFFB0  }
0x6b: {  	_ =	swait.ge [sflag:s14], $0x50  }
0x6c: {  	s17 =	sadd.s32 $0x1, s17;
	[sflag:s14] =	ssyncset.done $0x0  }
0x6d: {  	p0 =	sne.s32 s17, s8;
	[sflag:s14] =	ssyncadd.s32 $0xFFFFFFB0  }
.Ltmp1:
0x6e: {  	[bflag:$0x0] =	sbarrier.arrive $0xFFFF;
	(pc) =	sbr.rel @p0 .LBB2_1-.Ltmp1, $4  }
0x6f: {  	[hbm:s7], [sflag:s15] =	dma.local [spmem:s16], $0x50  }
0x70: {  	_ =	swait.ge [sflag:s10], $0x50  }
0x71: {  	[sflag:s10] =	ssyncset.done $0x0  }
0x72: {  	[sflag:s10] =	ssyncadd.s32 $0xFFFFFFB0  }
0x73: {  	_ =	sfence.sel $0x180000  }
0x74: {  	[bflag:$0x0] =	sbarrier.arrive $0xFFFF  }
0x75: {  	p0 =	sne.s32 s0, $0x0;
	_ =	strace $0x90000047  }
0x76: {  	s0 =	sadd.s32 @!p0 $0x100000, s1;
	[bflag:$0x2] =	sbarrier.arrive $0xFFFF  }
0x77: {  	[sflag:s0] =	ssyncadd.tile.s32 @!p0 $0x1;
	_ =	shalt  }
.Lfunc_end2:
_tile_overlayer_lowered:
.L_overlay_start_2:
0x78: {  	(tag) =	ssettag $0x2  }
0x79: {  	s0 =	rddreg [dreg:$0x0];
	s2 =	stileid.u32  }
0x7a: {  	s1 =	rddreg [dreg:$0x1];
	p0 =	sne.s32 s2, $0x0  }
0x7b: {  	s3 =	rddreg [dreg:$0x2];
	[bflag:$0x3] =	sbarrier.arrive $0xFFFF;
	s2 =	simm.s32 @!p0 $0x1C02  }
0x7c: {  	[timem:s3], [sflag:s2] =	dma.local @!p0 [hbm:s0], s1  }
0x7d: {  	s0 =	simm.s32 @!p0 $0x2  }
0x7e: {  	_ =	swait.ge @!p0 [sflag:s0], s1  }
0x7f: {  	s1 =	ssub.s32 @!p0 $0x0, s1;
	[sflag:s0] =	ssyncset.done @!p0 $0x0  }
0x80: {  	[sflag:s0] =	ssyncadd.s32 @!p0 s1  }
0x81: {  	[bflag:$0x3] =	sbarrier.arrive $0xFFFF  }
0x82: {  	_ =	shalt  }

</sc_bundles>
